<compile_context>
chip_gen: v7x
topology: tpu7x:2x2x1
jax: 0.10.2.dev20260603
libtpu: 0.0.44.dev20260713+nightly
codegen_flags: <defaults>
</compile_context>

<pallas_src>
import functools
import math

import numpy as np
import jax
import jax.numpy as jnp
from jax import lax
from jax.experimental import pallas as pl
from jax.experimental.pallas import tpu as pltpu
from jax.experimental.pallas import tpu_sc as plsc

_ALPHA, _BETA, _GAMMA = 2.0, 4.0, 8.0
_E = 24
_NSEG = 2 * _E - 1
_MW = _NSEG * _E
_MWP = 1152
_MSZ = _E * _MWP
_NC, _NS = 2, 16
_NW = _NC * _NS


def _pw_index(rp):
    rp = np.asarray(rp, dtype=np.float64)
    rp_abs = np.abs(rp)
    not_mask = rp_abs > _ALPHA
    idx = np.round(rp).astype(np.int64)
    rp_out = rp[not_mask]
    rp_abs_out = rp_abs[not_mask]
    y = (np.sign(rp_out) * np.clip(
        np.round(_ALPHA + np.log(rp_abs_out / _ALPHA)
                 / math.log(_GAMMA / _ALPHA) * (_BETA - _ALPHA)),
        None, _BETA)).astype(np.int64)
    idx[not_mask] = y
    return idx


def _quant(ids):
    uq, inv = np.unique(ids, return_inverse=True)
    return inv.reshape(ids.shape), uq.size


@functools.lru_cache(maxsize=None)
def _master_idx(L):
    E = int(math.isqrt(L))
    assert E * E == L and E == _E
    rg = np.arange(E)
    rows = np.repeat(rg[:, None], E, axis=1)
    cols = rows.T
    pos = np.stack([rows, cols], 2).reshape(E * E, 2)
    diff = pos[:, None, :] - pos[None, :, :]
    r, r_num = _quant(_pw_index(diff[:, :, 0]))
    c, c_num = _quant(_pw_index(diff[:, :, 1]))
    pid = (r * c_num + c).astype(np.int32)

    Rmap = np.zeros(_NSEG, np.int32)
    Cmap = np.zeros(_NSEG, np.int32)
    for d in range(-(E - 1), E):
        Rmap[d + E - 1] = r[max(d, 0) * E, max(-d, 0) * E]
        Cmap[d + E - 1] = c[max(d, 0), max(-d, 0)]

    ci = np.arange(E)
    seg = Cmap[(ci[:, None] - ci[None, :]) + E - 1]
    base = (Rmap[::-1] * c_num)
    idx = (base[None, :, None] + seg[:, None, :]).reshape(E, _MW)
    out = np.zeros((E, _MWP), np.int32)
    out[:, :_MW] = idx

    for ri in range(E):
        s = (E - 1 - ri) * E
        assert np.array_equal(idx[:, s:s + L], pid[ri * E:(ri + 1) * E, :])
    flat = out.reshape(-1)
    wchunk = 12 * _MSZ // _NW
    return np.concatenate([flat, flat[:wchunk]])


def _sc_body(tab_hbm, idx_hbm, out_hbm, tab_v, idx_v, chunk_v, sem, *, heads):
    c = lax.axis_index("c")
    s = lax.axis_index("s")
    w = s * _NC + c

    chunk = heads * _MSZ // _NW
    pbase = w * chunk
    q_lo = pbase % _MSZ
    pltpu.sync_copy(tab_hbm, tab_v)
    pltpu.sync_copy(idx_hbm.at[pl.ds(q_lo, chunk)], idx_v)

    iota = lax.iota(jnp.int32, 16)
    m_lo = pbase // _MSZ
    bnd = (m_lo + 1) * _MSZ

    @plsc.parallel_loop(0, chunk // 16, unroll=9)
    def _build(i):
        off = i * 16
        p = pbase + off + iota
        m = m_lo + (p >= bnd).astype(jnp.int32)
        iq = plsc.load_gather(idx_v, [off + iota])
        chunk_v[pl.ds(off, 16)] = plsc.load_gather(tab_v, [m, iq])

    pltpu.sync_copy(chunk_v, out_hbm.at[pl.ds(pbase, chunk)])


def _tc_body(m_ref, o_ref):
    L = _E * _E
    m = jnp.reshape(m_ref[...], (4 * _E, _MWP))
    for hh in range(4):
        for ri in range(_E):
            c0 = (_E - 1 - ri) * _E
            o_ref[0, hh, ri * _E:(ri + 1) * _E, :] = (
                m[hh * _E:(hh + 1) * _E, c0:c0 + L])


def kernel(x, lookup_table):
    L = x.shape[2]
    H, B = lookup_table.shape
    idx_const = jnp.asarray(_master_idx(L))

    mesh = plsc.VectorSubcoreMesh(core_axis_name="c", subcore_axis_name="s")
    build = pl.kernel(
        functools.partial(_sc_body, heads=H),
        mesh=mesh,
        compiler_params=pltpu.CompilerParams(needs_layout_passes=False),
        out_type=jax.ShapeDtypeStruct((H * _MSZ,), jnp.float32),
        scratch_types=[
            pltpu.VMEM((H, B), jnp.float32),
            pltpu.VMEM((H * _MSZ // _NW,), jnp.int32),
            pltpu.VMEM((H * _MSZ // _NW,), jnp.float32),
            pltpu.SemaphoreType.DMA,
        ],
    )
    rows_per_head = _E * _MWP // 128
    masters = build(lookup_table, idx_const).reshape(H * rows_per_head, 128)

    out = pl.pallas_call(
        _tc_body,
        grid=(H // 4,),
        in_specs=[pl.BlockSpec((4 * rows_per_head, 128), lambda h: (h, 0))],
        out_specs=pl.BlockSpec((1, 4, L, L), lambda h: (0, h, 0, 0)),
        out_shape=jax.ShapeDtypeStruct((1, H, L, L), jnp.float32),
    )(masters)
    return out

# --- scband reference (transcript-rebuilt; emitter-appended) ---
"""Pipeline reference for scband-relative-position-bias2-d-76794015252602 (READ-ONLY COPY).

The authoritative reference and input builder live on the scoring server;
editing this copy changes nothing except your own understanding.
"""

import jax, jax.numpy as jnp
import numpy as np
import math

ALPHA, BETA, GAMMA = 2.0, 4.0, 8.0
NUM_HEADS = 12
HEAD_DIM = 64
NUM_BUCKETS = 81


def _piecewise_index(rp, alpha, beta, gamma):
    rp = np.asarray(rp, dtype=np.float64)
    rp_abs = np.abs(rp)
    not_mask = rp_abs > alpha
    idx = np.round(rp).astype(np.int64)
    rp_out = rp[not_mask]
    rp_abs_out = rp_abs[not_mask]
    y = (np.sign(rp_out) * np.clip(np.round(alpha + np.log(rp_abs_out / alpha) / math.log(gamma / alpha) * (beta - alpha)), None, beta)).astype(np.int64)
    idx[not_mask] = y
    return idx


def _quantize_idx(ids):
    uq, inv = np.unique(ids, return_inverse=True)
    return inv.reshape(ids.shape), uq.size


def _get_rp_bucket(L):
    E = int(math.isqrt(L))
    assert E * E == L, 'skip must be 0 for this config'
    rg = np.arange(E)
    rows = np.repeat(rg[:, None], E, axis=1)
    cols = rows.T
    pos = np.stack([rows, cols], 2).reshape(E * E, 2)
    diff = pos[:, None, :] - pos[None, :, :]
    # method == PRODUCT (3)
    r, r_num = _quantize_idx(_piecewise_index(diff[:, :, 0], ALPHA, BETA, GAMMA))
    c, c_num = _quantize_idx(_piecewise_index(diff[:, :, 1], ALPHA, BETA, GAMMA))
    pid = r * c_num + c
    assert np.unique(pid).size == NUM_BUCKETS
    return pid.astype(np.int32)


def setup_inputs(seed: int = 0) -> dict:
    key = jax.random.key(seed)
    k1, k2 = jax.random.split(key)
    x = jax.random.normal(k1, (64, NUM_HEADS, 576, HEAD_DIM), dtype=jnp.float32)
    lookup_table = jax.random.normal(k2, (NUM_HEADS, NUM_BUCKETS), dtype=jnp.float32) * 0.02
    return {'x': x, 'lookup_table': lookup_table}


def reference(x, lookup_table):
    # mode='bias', transposed=True:
    # return lookup_table[:, rp_bucket.flatten()].view(1, H, L, L)
    L = x.shape[2]
    rp_bucket = jnp.asarray(_get_rp_bucket(L))  # (L, L) int32
    bias = jnp.take(lookup_table, rp_bucket.reshape(-1), axis=1)
    return bias.reshape(1, lookup_table.shape[0], L, L)

if __name__ == "__main__":
    import jax
    _d = setup_inputs()
    print(jax.jit(kernel)(*tuple(_d.values())))

</pallas_src>

<mosaic_0001>
#map = affine_map<(d0, d1) -> (0, 0)>
#map1 = affine_map<(d0, d1) -> (0)>
module attributes {stable_mosaic.version = 14 : i64} {
  func.func @_sc_body(%arg0: i32, %arg1: i32, %arg2: memref<12x81xf32, #tpu.memory_space<hbm>>, %arg3: memref<38016xi32, #tpu.memory_space<hbm>>, %arg4: memref<331776xf32, #tpu.memory_space<hbm>>, %arg5: memref<12x81xf32, #tpu.memory_space<vmem>>, %arg6: memref<10368xi32, #tpu.memory_space<vmem>>, %arg7: memref<10368xf32, #tpu.memory_space<vmem>>, %arg8: memref<!tpu.dma_semaphore, #tpu.memory_space<semaphore_mem>>) attributes {dimension_semantics = [#tpu.dimension_semantics<core_parallel>, #tpu.dimension_semantics<subcore_parallel>], iteration_bounds = array<i64: 2, 16>, scalar_prefetch = 0 : i64, scratch_operands = 4 : i64, tpu.core_type = #tpu.core_type<sc_vector_subcore>, window_params = [{transform_indices = #map}, {transform_indices = #map1}, {transform_indices = #map1}]} {
    %mul3A = arith.constant 2 : i32
    %mul3A_0 = arith.muli %arg1, %mul3A : i32
    %add3A = arith.addi %mul3A_0, %arg0 : i32
    %mul3A_1 = arith.constant 10368 : i32
    %mul3A_2 = arith.muli %add3A, %mul3A_1 : i32
    %jit3A = arith.constant 27648 : i32
    %eq3A = arith.constant 0 : i32
    %eq3A_3 = arith.cmpi eq, %jit3A, %eq3A : i32
    %jit3A_4 = arith.constant 1 : i32
    %select_n3A = arith.select %eq3A_3, %jit3A_4, %jit3A : i32
    %rem3A = arith.remsi %mul3A_2, %select_n3A : i32
    %ne3A = arith.constant 0 : i32
    %ne3A_5 = arith.cmpi ne, %rem3A, %ne3A : i32
    %lt3A = arith.constant 0 : i32
    %lt3A_6 = arith.cmpi slt, %rem3A, %lt3A : i32
    %lt3A_7 = arith.constant 0 : i32
    %lt3A_8 = arith.cmpi slt, %select_n3A, %lt3A_7 : i32
    %ne3A_9 = arith.xori %lt3A_6, %lt3A_8 : i1
    %and3A = arith.andi %ne3A_9, %ne3A_5 : i1
    %add3A_10 = arith.addi %rem3A, %select_n3A : i32
    %select_n3A_11 = arith.select %and3A, %add3A_10, %rem3A : i32
    "tpu.region"() ({
      %run_scoped3A = tpu.sem_alloc : memref<!tpu.dma_semaphore, #tpu.memory_space<semaphore_mem>>
      tpu.enqueue_dma source(%arg2 : memref<12x81xf32, #tpu.memory_space<hbm>>) target(%arg5 : memref<12x81xf32, #tpu.memory_space<vmem>>) target_semaphore(%run_scoped3A : memref<!tpu.dma_semaphore, #tpu.memory_space<semaphore_mem>>)
      tpu.wait_dma2 semaphore(%run_scoped3A : memref<!tpu.dma_semaphore, #tpu.memory_space<semaphore_mem>>) src(%arg2 : memref<12x81xf32, #tpu.memory_space<hbm>>) dst(%arg5 : memref<12x81xf32, #tpu.memory_space<vmem>>)
      tpu.yield
    }) : () -> ()
    "tpu.region"() ({
      %run_scoped3A = tpu.sem_alloc : memref<!tpu.dma_semaphore, #tpu.memory_space<semaphore_mem>>
      %dma_start3A = tpu.memref_slice %arg3[%select_n3A_11] : memref<38016xi32, #tpu.memory_space<hbm>> -> memref<10368xi32, #tpu.memory_space<hbm>>
      %dma_start3A_39 = tpu.memref_slice %arg3[%select_n3A_11] : memref<38016xi32, #tpu.memory_space<hbm>> -> memref<10368xi32, #tpu.memory_space<hbm>>
      tpu.enqueue_dma source(%dma_start3A_39 : memref<10368xi32, #tpu.memory_space<hbm>>) target(%arg6 : memref<10368xi32, #tpu.memory_space<vmem>>) target_semaphore(%run_scoped3A : memref<!tpu.dma_semaphore, #tpu.memory_space<semaphore_mem>>)
      %dma_wait3A = tpu.memref_slice %arg3[%select_n3A_11] : memref<38016xi32, #tpu.memory_space<hbm>> -> memref<10368xi32, #tpu.memory_space<hbm>>
      %dma_wait3A_40 = tpu.memref_slice %arg3[%select_n3A_11] : memref<38016xi32, #tpu.memory_space<hbm>> -> memref<10368xi32, #tpu.memory_space<hbm>>
      tpu.wait_dma2 semaphore(%run_scoped3A : memref<!tpu.dma_semaphore, #tpu.memory_space<semaphore_mem>>) src(%dma_wait3A_40 : memref<10368xi32, #tpu.memory_space<hbm>>) dst(%arg6 : memref<10368xi32, #tpu.memory_space<vmem>>)
      tpu.yield
    }) : () -> ()
    %iota3A = tpu.iota {dimensions = array<i32: 0>} : vector<16xi32>
    %jit3A_12 = arith.constant 27648 : i32
    %div3A = arith.divsi %mul3A_2, %jit3A_12 : i32
    %sign3A = arith.constant 0 : i32
    %sign3A_13 = arith.cmpi sgt, %mul3A_2, %sign3A : i32
    %sign3A_14 = arith.extui %sign3A_13 : i1 to i32
    %sign3A_15 = arith.constant 0 : i32
    %sign3A_16 = arith.cmpi slt, %mul3A_2, %sign3A_15 : i32
    %sign3A_17 = arith.extui %sign3A_16 : i1 to i32
    %sign3A_18 = arith.subi %sign3A_14, %sign3A_17 : i32
    %sign3A_19 = arith.constant 0 : i32
    %sign3A_20 = arith.cmpi sgt, %jit3A_12, %sign3A_19 : i32
    %sign3A_21 = arith.extui %sign3A_20 : i1 to i32
    %sign3A_22 = arith.constant 0 : i32
    %sign3A_23 = arith.cmpi slt, %jit3A_12, %sign3A_22 : i32
    %sign3A_24 = arith.extui %sign3A_23 : i1 to i32
    %sign3A_25 = arith.subi %sign3A_21, %sign3A_24 : i32
    %ne3A_26 = arith.cmpi ne, %sign3A_18, %sign3A_25 : i32
    %rem3A_27 = arith.remsi %mul3A_2, %jit3A_12 : i32
    %ne3A_28 = arith.constant 0 : i32
    %ne3A_29 = arith.cmpi ne, %rem3A_27, %ne3A_28 : i32
    %and3A_30 = arith.andi %ne3A_26, %ne3A_29 : i1
    %sub3A = arith.constant 1 : i32
    %sub3A_31 = arith.subi %div3A, %sub3A : i32
    %select_n3A_32 = arith.select %and3A_30, %sub3A_31, %div3A : i32
    %add3A_33 = arith.constant 1 : i32
    %add3A_34 = arith.addi %select_n3A_32, %add3A_33 : i32
    %mul3A_35 = arith.constant 27648 : i32
    %mul3A_36 = arith.muli %add3A_34, %mul3A_35 : i32
    %parallel_loop3A = arith.constant 0 : i32
    %parallel_loop3A_37 = arith.constant 648 : i32
    %parallel_loop3A_38 = arith.constant 1 : i32
    scf.for %parallel_loop3A_39 = %parallel_loop3A to %parallel_loop3A_37 step %parallel_loop3A_38  : i32 {
      %parallel_loop3A_40 = arith.constant 16 : i32
      %parallel_loop3A_41 = arith.muli %parallel_loop3A_39, %parallel_loop3A_40 : i32
      %parallel_loop3A_42 = arith.addi %mul3A_2, %parallel_loop3A_41 : i32
      %parallel_loop3A_43 = vector.broadcast %parallel_loop3A_42 : i32 to vector<16xi32>
      %parallel_loop3A_44 = arith.addi %parallel_loop3A_43, %iota3A : vector<16xi32>
      %parallel_loop3A_45 = vector.broadcast %mul3A_36 : i32 to vector<16xi32>
      %parallel_loop3A_46 = arith.cmpi sge, %parallel_loop3A_44, %parallel_loop3A_45 : vector<16xi32>
      %parallel_loop3A_47 = arith.extui %parallel_loop3A_46 : vector<16xi1> to vector<16xi32>
      %parallel_loop3A_48 = vector.broadcast %select_n3A_32 : i32 to vector<16xi32>
      %parallel_loop3A_49 = arith.addi %parallel_loop3A_48, %parallel_loop3A_47 : vector<16xi32>
      %parallel_loop3A_50 = vector.broadcast %parallel_loop3A_41 : i32 to vector<16xi32>
      %parallel_loop3A_51 = arith.addi %parallel_loop3A_50, %iota3A : vector<16xi32>
      %parallel_loop3A_52 = tpu.vector_load_idx %arg6[%parallel_loop3A_51] : memref<10368xi32, #tpu.memory_space<vmem>>[vector<16xi32>], vector<16xi32>,
      %parallel_loop3A_53 = tpu.vector_load_idx %arg5[%parallel_loop3A_49, %parallel_loop3A_52] : memref<12x81xf32, #tpu.memory_space<vmem>>[vector<16xi32>, vector<16xi32>], vector<16xf32>,
      %parallel_loop3A_54 = arith.index_cast %parallel_loop3A_41 : i32 to index
      %parallel_loop3A_55 = tpu.vector_load %arg7[%parallel_loop3A_54] {strides = array<i32>} : memref<10368xf32, #tpu.memory_space<vmem>>, vector<16xf32>,
      tpu.vector_store %arg7[%parallel_loop3A_54], %parallel_loop3A_53 {strides = array<i32>} : memref<10368xf32, #tpu.memory_space<vmem>>, vector<16xf32>,
    } {sc.loop_unroll_factor = 9 : i64, sc.parallel_access}
    "tpu.region"() ({
      %run_scoped3A = tpu.sem_alloc : memref<!tpu.dma_semaphore, #tpu.memory_space<semaphore_mem>>
      %dma_start3A = tpu.memref_slice %arg4[%mul3A_2] : memref<331776xf32, #tpu.memory_space<hbm>> -> memref<10368xf32, #tpu.memory_space<hbm>>
      %dma_start3A_39 = tpu.memref_slice %arg4[%mul3A_2] : memref<331776xf32, #tpu.memory_space<hbm>> -> memref<10368xf32, #tpu.memory_space<hbm>>
      tpu.enqueue_dma source(%arg7 : memref<10368xf32, #tpu.memory_space<vmem>>) target(%dma_start3A_39 : memref<10368xf32, #tpu.memory_space<hbm>>) target_semaphore(%run_scoped3A : memref<!tpu.dma_semaphore, #tpu.memory_space<semaphore_mem>>)
      %dma_wait3A = tpu.memref_slice %arg4[%mul3A_2] : memref<331776xf32, #tpu.memory_space<hbm>> -> memref<10368xf32, #tpu.memory_space<hbm>>
      %dma_wait3A_40 = tpu.memref_slice %arg4[%mul3A_2] : memref<331776xf32, #tpu.memory_space<hbm>> -> memref<10368xf32, #tpu.memory_space<hbm>>
      tpu.wait_dma2 semaphore(%run_scoped3A : memref<!tpu.dma_semaphore, #tpu.memory_space<semaphore_mem>>) src(%arg7 : memref<10368xf32, #tpu.memory_space<vmem>>) dst(%dma_wait3A_40 : memref<10368xf32, #tpu.memory_space<hbm>>)
      tpu.yield
    }) : () -> ()
    return
  }
}

module attributes {stable_mosaic.version = 14 : i64} {
  func.func @_tc_body(%arg0: i32, %arg1: memref<864x128xf32, #tpu.memory_space<vmem>>, %arg2: memref<1x4x576x576xf32, #tpu.memory_space<vmem>>) attributes {dimension_semantics = [#tpu.dimension_semantics<arbitrary>], iteration_bounds = array<i64: 3>, scalar_prefetch = 0 : i64, scratch_operands = 0 : i64, tpu.core_type = #tpu.core_type<tc>, window_params = [{transform_indices = @transform_0, window_bounds = array<i64: 864, 128>}, {transform_indices = @transform_1, window_bounds = array<i64: 1, 4, 576, 576>}]} {
    %get3A = arith.constant 0 : index
    %get3A_0 = arith.constant 0 : index
    %get3A_1 = vector.load %arg1[%get3A, %get3A_0] : memref<864x128xf32, #tpu.memory_space<vmem>>, vector<864x128xf32>
    %reshape3A = vector.shape_cast %get3A_1 : vector<864x128xf32> to vector<96x1152xf32>
    %slice3A = vector.extract_strided_slice %reshape3A {offsets = [0, 552], sizes = [24, 576], strides = [1, 1]} : vector<96x1152xf32> to vector<24x576xf32>
    %swap3A = arith.constant 0 : index
    %swap3A_2 = arith.constant 0 : index
    %swap3A_3 = arith.constant 0 : index
    %swap3A_4 = arith.constant 0 : index
    %swap3A_5 = vector.load %arg2[%swap3A, %swap3A_2, %swap3A_3, %swap3A_4] : memref<1x4x576x576xf32, #tpu.memory_space<vmem>>, vector<1x1x24x576xf32>
    %swap3A_6 = vector.shape_cast %swap3A_5 : vector<1x1x24x576xf32> to vector<24x576xf32>
    %swap3A_7 = vector.shape_cast %slice3A : vector<24x576xf32> to vector<1x1x24x576xf32>
    tpu.vector_store %arg2[%swap3A, %swap3A_2, %swap3A_3, %swap3A_4], %swap3A_7 {strides = array<i32>} : memref<1x4x576x576xf32, #tpu.memory_space<vmem>>, vector<1x1x24x576xf32>,
    %slice3A_8 = vector.extract_strided_slice %reshape3A {offsets = [0, 528], sizes = [24, 576], strides = [1, 1]} : vector<96x1152xf32> to vector<24x576xf32>
    %swap3A_9 = arith.constant 0 : index
    %swap3A_10 = arith.constant 0 : index
    %swap3A_11 = arith.constant 24 : index
    %swap3A_12 = arith.constant 0 : index
    %swap3A_13 = vector.load %arg2[%swap3A_9, %swap3A_10, %swap3A_11, %swap3A_12] : memref<1x4x576x576xf32, #tpu.memory_space<vmem>>, vector<1x1x24x576xf32>
    %swap3A_14 = vector.shape_cast %swap3A_13 : vector<1x1x24x576xf32> to vector<24x576xf32>
    %swap3A_15 = vector.shape_cast %slice3A_8 : vector<24x576xf32> to vector<1x1x24x576xf32>
    tpu.vector_store %arg2[%swap3A_9, %swap3A_10, %swap3A_11, %swap3A_12], %swap3A_15 {strides = array<i32>} : memref<1x4x576x576xf32, #tpu.memory_space<vmem>>, vector<1x1x24x576xf32>,
    %slice3A_16 = vector.extract_strided_slice %reshape3A {offsets = [0, 504], sizes = [24, 576], strides = [1, 1]} : vector<96x1152xf32> to vector<24x576xf32>
    %swap3A_17 = arith.constant 0 : index
    %swap3A_18 = arith.constant 0 : index
    %swap3A_19 = arith.constant 48 : index
    %swap3A_20 = arith.constant 0 : index
    %swap3A_21 = vector.load %arg2[%swap3A_17, %swap3A_18, %swap3A_19, %swap3A_20] : memref<1x4x576x576xf32, #tpu.memory_space<vmem>>, vector<1x1x24x576xf32>
    %swap3A_22 = vector.shape_cast %swap3A_21 : vector<1x1x24x576xf32> to vector<24x576xf32>
    %swap3A_23 = vector.shape_cast %slice3A_16 : vector<24x576xf32> to vector<1x1x24x576xf32>
    tpu.vector_store %arg2[%swap3A_17, %swap3A_18, %swap3A_19, %swap3A_20], %swap3A_23 {strides = array<i32>} : memref<1x4x576x576xf32, #tpu.memory_space<vmem>>, vector<1x1x24x576xf32>,
    %slice3A_24 = vector.extract_strided_slice %reshape3A {offsets = [0, 480], sizes = [24, 576], strides = [1, 1]} : vector<96x1152xf32> to vector<24x576xf32>
    %swap3A_25 = arith.constant 0 : index
    %swap3A_26 = arith.constant 0 : index
    %swap3A_27 = arith.constant 72 : index
    %swap3A_28 = arith.constant 0 : index
    %swap3A_29 = vector.load %arg2[%swap3A_25, %swap3A_26, %swap3A_27, %swap3A_28] : memref<1x4x576x576xf32, #tpu.memory_space<vmem>>, vector<1x1x24x576xf32>
    %swap3A_30 = vector.shape_cast %swap3A_29 : vector<1x1x24x576xf32> to vector<24x576xf32>
    %swap3A_31 = vector.shape_cast %slice3A_24 : vector<24x576xf32> to vector<1x1x24x576xf32>
    tpu.vector_store %arg2[%swap3A_25, %swap3A_26, %swap3A_27, %swap3A_28], %swap3A_31 {strides = array<i32>} : memref<1x4x576x576xf32, #tpu.memory_space<vmem>>, vector<1x1x24x576xf32>,
    %slice3A_32 = vector.extract_strided_slice %reshape3A {offsets = [0, 456], sizes = [24, 576], strides = [1, 1]} : vector<96x1152xf32> to vector<24x576xf32>
    %swap3A_33 = arith.constant 0 : index
    %swap3A_34 = arith.constant 0 : index
    %swap3A_35 = arith.constant 96 : index
    %swap3A_36 = arith.constant 0 : index
    %swap3A_37 = vector.load %arg2[%swap3A_33, %swap3A_34, %swap3A_35, %swap3A_36] : memref<1x4x576x576xf32, #tpu.memory_space<vmem>>, vector<1x1x24x576xf32>
    %swap3A_38 = vector.shape_cast %swap3A_37 : vector<1x1x24x576xf32> to vector<24x576xf32>
    %swap3A_39 = vector.shape_cast %slice3A_32 : vector<24x576xf32> to vector<1x1x24x576xf32>
    tpu.vector_store %arg2[%swap3A_33, %swap3A_34, %swap3A_35, %swap3A_36], %swap3A_39 {strides = array<i32>} : memref<1x4x576x576xf32, #tpu.memory_space<vmem>>, vector<1x1x24x576xf32>,
    %slice3A_40 = vector.extract_strided_slice %reshape3A {offsets = [0, 432], sizes = [24, 576], strides = [1, 1]} : vector<96x1152xf32> to vector<24x576xf32>
    %swap3A_41 = arith.constant 0 : index
    %swap3A_42 = arith.constant 0 : index
    %swap3A_43 = arith.constant 120 : index
    %swap3A_44 = arith.constant 0 : index
    %swap3A_45 = vector.load %arg2[%swap3A_41, %swap3A_42, %swap3A_43, %swap3A_44] : memref<1x4x576x576xf32, #tpu.memory_space<vmem>>, vector<1x1x24x576xf32>
    %swap3A_46 = vector.shape_cast %swap3A_45 : vector<1x1x24x576xf32> to vector<24x576xf32>
    %swap3A_47 = vector.shape_cast %slice3A_40 : vector<24x576xf32> to vector<1x1x24x576xf32>
    tpu.vector_store %arg2[%swap3A_41, %swap3A_42, %swap3A_43, %swap3A_44], %swap3A_47 {strides = array<i32>} : memref<1x4x576x576xf32, #tpu.memory_space<vmem>>, vector<1x1x24x576xf32>,
    %slice3A_48 = vector.extract_strided_slice %reshape3A {offsets = [0, 408], sizes = [24, 576], strides = [1, 1]} : vector<96x1152xf32> to vector<24x576xf32>
    %swap3A_49 = arith.constant 0 : index
    %swap3A_50 = arith.constant 0 : index
    %swap3A_51 = arith.constant 144 : index
    %swap3A_52 = arith.constant 0 : index
    %swap3A_53 = vector.load %arg2[%swap3A_49, %swap3A_50, %swap3A_51, %swap3A_52] : memref<1x4x576x576xf32, #tpu.memory_space<vmem>>, vector<1x1x24x576xf32>
    %swap3A_54 = vector.shape_cast %swap3A_53 : vector<1x1x24x576xf32> to vector<24x576xf32>
    %swap3A_55 = vector.shape_cast %slice3A_48 : vector<24x576xf32> to vector<1x1x24x576xf32>
    tpu.vector_store %arg2[%swap3A_49, %swap3A_50, %swap3A_51, %swap3A_52], %swap3A_55 {strides = array<i32>} : memref<1x4x576x576xf32, #tpu.memory_space<vmem>>, vector<1x1x24x576xf32>,
    %slice3A_56 = vector.extract_strided_slice %reshape3A {offsets = [0, 384], sizes = [24, 576], strides = [1, 1]} : vector<96x1152xf32> to vector<24x576xf32>
    %swap3A_57 = arith.constant 0 : index
    %swap3A_58 = arith.constant 0 : index
    %swap3A_59 = arith.constant 168 : index
    %swap3A_60 = arith.constant 0 : index
    %swap3A_61 = vector.load %arg2[%swap3A_57, %swap3A_58, %swap3A_59, %swap3A_60] : memref<1x4x576x576xf32, #tpu.memory_space<vmem>>, vector<1x1x24x576xf32>
    %swap3A_62 = vector.shape_cast %swap3A_61 : vector<1x1x24x576xf32> to vector<24x576xf32>
    %swap3A_63 = vector.shape_cast %slice3A_56 : vector<24x576xf32> to vector<1x1x24x576xf32>
    tpu.vector_store %arg2[%swap3A_57, %swap3A_58, %swap3A_59, %swap3A_60], %swap3A_63 {strides = array<i32>} : memref<1x4x576x576xf32, #tpu.memory_space<vmem>>, vector<1x1x24x576xf32>,
    %slice3A_64 = vector.extract_strided_slice %reshape3A {offsets = [0, 360], sizes = [24, 576], strides = [1, 1]} : vector<96x1152xf32> to vector<24x576xf32>
    %swap3A_65 = arith.constant 0 : index
    %swap3A_66 = arith.constant 0 : index
    %swap3A_67 = arith.constant 192 : index
    %swap3A_68 = arith.constant 0 : index
    %swap3A_69 = vector.load %arg2[%swap3A_65, %swap3A_66, %swap3A_67, %swap3A_68] : memref<1x4x576x576xf32, #tpu.memory_space<vmem>>, vector<1x1x24x576xf32>
    %swap3A_70 = vector.shape_cast %swap3A_69 : vector<1x1x24x576xf32> to vector<24x576xf32>
    %swap3A_71 = vector.shape_cast %slice3A_64 : vector<24x576xf32> to vector<1x1x24x576xf32>
    tpu.vector_store %arg2[%swap3A_65, %swap3A_66, %swap3A_67, %swap3A_68], %swap3A_71 {strides = array<i32>} : memref<1x4x576x576xf32, #tpu.memory_space<vmem>>, vector<1x1x24x576xf32>,
    %slice3A_72 = vector.extract_strided_slice %reshape3A {offsets = [0, 336], sizes = [24, 576], strides = [1, 1]} : vector<96x1152xf32> to vector<24x576xf32>
    %swap3A_73 = arith.constant 0 : index
    %swap3A_74 = arith.constant 0 : index
    %swap3A_75 = arith.constant 216 : index
    %swap3A_76 = arith.constant 0 : index
    %swap3A_77 = vector.load %arg2[%swap3A_73, %swap3A_74, %swap3A_75, %swap3A_76] : memref<1x4x576x576xf32, #tpu.memory_space<vmem>>, vector<1x1x24x576xf32>
    %swap3A_78 = vector.shape_cast %swap3A_77 : vector<1x1x24x576xf32> to vector<24x576xf32>
    %swap3A_79 = vector.shape_cast %slice3A_72 : vector<24x576xf32> to vector<1x1x24x576xf32>
    tpu.vector_store %arg2[%swap3A_73, %swap3A_74, %swap3A_75, %swap3A_76], %swap3A_79 {strides = array<i32>} : memref<1x4x576x576xf32, #tpu.memory_space<vmem>>, vector<1x1x24x576xf32>,
    %slice3A_80 = vector.extract_strided_slice %reshape3A {offsets = [0, 312], sizes = [24, 576], strides = [1, 1]} : vector<96x1152xf32> to vector<24x576xf32>
    %swap3A_81 = arith.constant 0 : index
    %swap3A_82 = arith.constant 0 : index
    %swap3A_83 = arith.constant 240 : index
    %swap3A_84 = arith.constant 0 : index
    %swap3A_85 = vector.load %arg2[%swap3A_81, %swap3A_82, %swap3A_83, %swap3A_84] : memref<1x4x576x576xf32, #tpu.memory_space<vmem>>, vector<1x1x24x576xf32>
    %swap3A_86 = vector.shape_cast %swap3A_85 : vector<1x1x24x576xf32> to vector<24x576xf32>
    %swap3A_87 = vector.shape_cast %slice3A_80 : vector<24x576xf32> to vector<1x1x24x576xf32>
    tpu.vector_store %arg2[%swap3A_81, %swap3A_82, %swap3A_83, %swap3A_84], %swap3A_87 {strides = array<i32>} : memref<1x4x576x576xf32, #tpu.memory_space<vmem>>, vector<1x1x24x576xf32>,
    %slice3A_88 = vector.extract_strided_slice %reshape3A {offsets = [0, 288], sizes = [24, 576], strides = [1, 1]} : vector<96x1152xf32> to vector<24x576xf32>
    %swap3A_89 = arith.constant 0 : index
    %swap3A_90 = arith.constant 0 : index
    %swap3A_91 = arith.constant 264 : index
    %swap3A_92 = arith.constant 0 : index
    %swap3A_93 = vector.load %arg2[%swap3A_89, %swap3A_90, %swap3A_91, %swap3A_92] : memref<1x4x576x576xf32, #tpu.memory_space<vmem>>, vector<1x1x24x576xf32>
    %swap3A_94 = vector.shape_cast %swap3A_93 : vector<1x1x24x576xf32> to vector<24x576xf32>
    %swap3A_95 = vector.shape_cast %slice3A_88 : vector<24x576xf32> to vector<1x1x24x576xf32>
    tpu.vector_store %arg2[%swap3A_89, %swap3A_90, %swap3A_91, %swap3A_92], %swap3A_95 {strides = array<i32>} : memref<1x4x576x576xf32, #tpu.memory_space<vmem>>, vector<1x1x24x576xf32>,
    %slice3A_96 = vector.extract_strided_slice %reshape3A {offsets = [0, 264], sizes = [24, 576], strides = [1, 1]} : vector<96x1152xf32> to vector<24x576xf32>
    %swap3A_97 = arith.constant 0 : index
    %swap3A_98 = arith.constant 0 : index
    %swap3A_99 = arith.constant 288 : index
    %swap3A_100 = arith.constant 0 : index
    %swap3A_101 = vector.load %arg2[%swap3A_97, %swap3A_98, %swap3A_99, %swap3A_100] : memref<1x4x576x576xf32, #tpu.memory_space<vmem>>, vector<1x1x24x576xf32>
    %swap3A_102 = vector.shape_cast %swap3A_101 : vector<1x1x24x576xf32> to vector<24x576xf32>
    %swap3A_103 = vector.shape_cast %slice3A_96 : vector<24x576xf32> to vector<1x1x24x576xf32>
    tpu.vector_store %arg2[%swap3A_97, %swap3A_98, %swap3A_99, %swap3A_100], %swap3A_103 {strides = array<i32>} : memref<1x4x576x576xf32, #tpu.memory_space<vmem>>, vector<1x1x24x576xf32>,
    %slice3A_104 = vector.extract_strided_slice %reshape3A {offsets = [0, 240], sizes = [24, 576], strides = [1, 1]} : vector<96x1152xf32> to vector<24x576xf32>
    %swap3A_105 = arith.constant 0 : index
    %swap3A_106 = arith.constant 0 : index
    %swap3A_107 = arith.constant 312 : index
    %swap3A_108 = arith.constant 0 : index
    %swap3A_109 = vector.load %arg2[%swap3A_105, %swap3A_106, %swap3A_107, %swap3A_108] : memref<1x4x576x576xf32, #tpu.memory_space<vmem>>, vector<1x1x24x576xf32>
    %swap3A_110 = vector.shape_cast %swap3A_109 : vector<1x1x24x576xf32> to vector<24x576xf32>
    %swap3A_111 = vector.shape_cast %slice3A_104 : vector<24x576xf32> to vector<1x1x24x576xf32>
    tpu.vector_store %arg2[%swap3A_105, %swap3A_106, %swap3A_107, %swap3A_108], %swap3A_111 {strides = array<i32>} : memref<1x4x576x576xf32, #tpu.memory_space<vmem>>, vector<1x1x24x576xf32>,
    %slice3A_112 = vector.extract_strided_slice %reshape3A {offsets = [0, 216], sizes = [24, 576], strides = [1, 1]} : vector<96x1152xf32> to vector<24x576xf32>
    %swap3A_113 = arith.constant 0 : index
    %swap3A_114 = arith.constant 0 : index
    %swap3A_115 = arith.constant 336 : index
    %swap3A_116 = arith.constant 0 : index
    %swap3A_117 = vector.load %arg2[%swap3A_113, %swap3A_114, %swap3A_115, %swap3A_116] : memref<1x4x576x576xf32, #tpu.memory_space<vmem>>, vector<1x1x24x576xf32>
    %swap3A_118 = vector.shape_cast %swap3A_117 : vector<1x1x24x576xf32> to vector<24x576xf32>
    %swap3A_119 = vector.shape_cast %slice3A_112 : vector<24x576xf32> to vector<1x1x24x576xf32>
    tpu.vector_store %arg2[%swap3A_113, %swap3A_114, %swap3A_115, %swap3A_116], %swap3A_119 {strides = array<i32>} : memref<1x4x576x576xf32, #tpu.memory_space<vmem>>, vector<1x1x24x576xf32>,
    %slice3A_120 = vector.extract_strided_slice %reshape3A {offsets = [0, 192], sizes = [24, 576], strides = [1, 1]} : vector<96x1152xf32> to vector<24x576xf32>
    %swap3A_121 = arith.constant 0 : index
    %swap3A_122 = arith.constant 0 : index
    %swap3A_123 = arith.constant 360 : index
    %swap3A_124 = arith.constant 0 : index
    %swap3A_125 = vector.load %arg2[%swap3A_121, %swap3A_122, %swap3A_123, %swap3A_124] : memref<1x4x576x576xf32, #tpu.memory_space<vmem>>, vector<1x1x24x576xf32>
    %swap3A_126 = vector.shape_cast %swap3A_125 : vector<1x1x24x576xf32> to vector<24x576xf32>
    %swap3A_127 = vector.shape_cast %slice3A_120 : vector<24x576xf32> to vector<1x1x24x576xf32>
    tpu.vector_store %arg2[%swap3A_121, %swap3A_122, %swap3A_123, %swap3A_124], %swap3A_127 {strides = array<i32>} : memref<1x4x576x576xf32, #tpu.memory_space<vmem>>, vector<1x1x24x576xf32>,
    %slice3A_128 = vector.extract_strided_slice %reshape3A {offsets = [0, 168], sizes = [24, 576], strides = [1, 1]} : vector<96x1152xf32> to vector<24x576xf32>
    %swap3A_129 = arith.constant 0 : index
    %swap3A_130 = arith.constant 0 : index
    %swap3A_131 = arith.constant 384 : index
    %swap3A_132 = arith.constant 0 : index
    %swap3A_133 = vector.load %arg2[%swap3A_129, %swap3A_130, %swap3A_131, %swap3A_132] : memref<1x4x576x576xf32, #tpu.memory_space<vmem>>, vector<1x1x24x576xf32>
    %swap3A_134 = vector.shape_cast %swap3A_133 : vector<1x1x24x576xf32> to vector<24x576xf32>
    %swap3A_135 = vector.shape_cast %slice3A_128 : vector<24x576xf32> to vector<1x1x24x576xf32>
    tpu.vector_store %arg2[%swap3A_129, %swap3A_130, %swap3A_131, %swap3A_132], %swap3A_135 {strides = array<i32>} : memref<1x4x576x576xf32, #tpu.memory_space<vmem>>, vector<1x1x24x576xf32>,
    %slice3A_136 = vector.extract_strided_slice %reshape3A {offsets = [0, 144], sizes = [24, 576], strides = [1, 1]} : vector<96x1152xf32> to vector<24x576xf32>
    %swap3A_137 = arith.constant 0 : index
    %swap3A_138 = arith.constant 0 : index
    %swap3A_139 = arith.constant 408 : index
    %swap3A_140 = arith.constant 0 : index
    %swap3A_141 = vector.load %arg2[%swap3A_137, %swap3A_138, %swap3A_139, %swap3A_140] : memref<1x4x576x576xf32, #tpu.memory_space<vmem>>, vector<1x1x24x576xf32>
    %swap3A_142 = vector.shape_cast %swap3A_141 : vector<1x1x24x576xf32> to vector<24x576xf32>
    %swap3A_143 = vector.shape_cast %slice3A_136 : vector<24x576xf32> to vector<1x1x24x576xf32>
    tpu.vector_store %arg2[%swap3A_137, %swap3A_138, %swap3A_139, %swap3A_140], %swap3A_143 {strides = array<i32>} : memref<1x4x576x576xf32, #tpu.memory_space<vmem>>, vector<1x1x24x576xf32>,
    %slice3A_144 = vector.extract_strided_slice %reshape3A {offsets = [0, 120], sizes = [24, 576], strides = [1, 1]} : vector<96x1152xf32> to vector<24x576xf32>
    %swap3A_145 = arith.constant 0 : index
    %swap3A_146 = arith.constant 0 : index
    %swap3A_147 = arith.constant 432 : index
    %swap3A_148 = arith.constant 0 : index
    %swap3A_149 = vector.load %arg2[%swap3A_145, %swap3A_146, %swap3A_147, %swap3A_148] : memref<1x4x576x576xf32, #tpu.memory_space<vmem>>, vector<1x1x24x576xf32>
    %swap3A_150 = vector.shape_cast %swap3A_149 : vector<1x1x24x576xf32> to vector<24x576xf32>
    %swap3A_151 = vector.shape_cast %slice3A_144 : vector<24x576xf32> to vector<1x1x24x576xf32>
    tpu.vector_store %arg2[%swap3A_145, %swap3A_146, %swap3A_147, %swap3A_148], %swap3A_151 {strides = array<i32>} : memref<1x4x576x576xf32, #tpu.memory_space<vmem>>, vector<1x1x24x576xf32>,
    %slice3A_152 = vector.extract_strided_slice %reshape3A {offsets = [0, 96], sizes = [24, 576], strides = [1, 1]} : vector<96x1152xf32> to vector<24x576xf32>
    %swap3A_153 = arith.constant 0 : index
    %swap3A_154 = arith.constant 0 : index
    %swap3A_155 = arith.constant 456 : index
    %swap3A_156 = arith.constant 0 : index
    %swap3A_157 = vector.load %arg2[%swap3A_153, %swap3A_154, %swap3A_155, %swap3A_156] : memref<1x4x576x576xf32, #tpu.memory_space<vmem>>, vector<1x1x24x576xf32>
    %swap3A_158 = vector.shape_cast %swap3A_157 : vector<1x1x24x576xf32> to vector<24x576xf32>
    %swap3A_159 = vector.shape_cast %slice3A_152 : vector<24x576xf32> to vector<1x1x24x576xf32>
    tpu.vector_store %arg2[%swap3A_153, %swap3A_154, %swap3A_155, %swap3A_156], %swap3A_159 {strides = array<i32>} : memref<1x4x576x576xf32, #tpu.memory_space<vmem>>, vector<1x1x24x576xf32>,
    %slice3A_160 = vector.extract_strided_slice %reshape3A {offsets = [0, 72], sizes = [24, 576], strides = [1, 1]} : vector<96x1152xf32> to vector<24x576xf32>
    %swap3A_161 = arith.constant 0 : index
    %swap3A_162 = arith.constant 0 : index
    %swap3A_163 = arith.constant 480 : index
    %swap3A_164 = arith.constant 0 : index
    %swap3A_165 = vector.load %arg2[%swap3A_161, %swap3A_162, %swap3A_163, %swap3A_164] : memref<1x4x576x576xf32, #tpu.memory_space<vmem>>, vector<1x1x24x576xf32>
    %swap3A_166 = vector.shape_cast %swap3A_165 : vector<1x1x24x576xf32> to vector<24x576xf32>
    %swap3A_167 = vector.shape_cast %slice3A_160 : vector<24x576xf32> to vector<1x1x24x576xf32>
    tpu.vector_store %arg2[%swap3A_161, %swap3A_162, %swap3A_163, %swap3A_164], %swap3A_167 {strides = array<i32>} : memref<1x4x576x576xf32, #tpu.memory_space<vmem>>, vector<1x1x24x576xf32>,
    %slice3A_168 = vector.extract_strided_slice %reshape3A {offsets = [0, 48], sizes = [24, 576], strides = [1, 1]} : vector<96x1152xf32> to vector<24x576xf32>
    %swap3A_169 = arith.constant 0 : index
    %swap3A_170 = arith.constant 0 : index
    %swap3A_171 = arith.constant 504 : index
    %swap3A_172 = arith.constant 0 : index
    %swap3A_173 = vector.load %arg2[%swap3A_169, %swap3A_170, %swap3A_171, %swap3A_172] : memref<1x4x576x576xf32, #tpu.memory_space<vmem>>, vector<1x1x24x576xf32>
    %swap3A_174 = vector.shape_cast %swap3A_173 : vector<1x1x24x576xf32> to vector<24x576xf32>
    %swap3A_175 = vector.shape_cast %slice3A_168 : vector<24x576xf32> to vector<1x1x24x576xf32>
    tpu.vector_store %arg2[%swap3A_169, %swap3A_170, %swap3A_171, %swap3A_172], %swap3A_175 {strides = array<i32>} : memref<1x4x576x576xf32, #tpu.memory_space<vmem>>, vector<1x1x24x576xf32>,
    %slice3A_176 = vector.extract_strided_slice %reshape3A {offsets = [0, 24], sizes = [24, 576], strides = [1, 1]} : vector<96x1152xf32> to vector<24x576xf32>
    %swap3A_177 = arith.constant 0 : index
    %swap3A_178 = arith.constant 0 : index
    %swap3A_179 = arith.constant 528 : index
    %swap3A_180 = arith.constant 0 : index
    %swap3A_181 = vector.load %arg2[%swap3A_177, %swap3A_178, %swap3A_179, %swap3A_180] : memref<1x4x576x576xf32, #tpu.memory_space<vmem>>, vector<1x1x24x576xf32>
    %swap3A_182 = vector.shape_cast %swap3A_181 : vector<1x1x24x576xf32> to vector<24x576xf32>
    %swap3A_183 = vector.shape_cast %slice3A_176 : vector<24x576xf32> to vector<1x1x24x576xf32>
    tpu.vector_store %arg2[%swap3A_177, %swap3A_178, %swap3A_179, %swap3A_180], %swap3A_183 {strides = array<i32>} : memref<1x4x576x576xf32, #tpu.memory_space<vmem>>, vector<1x1x24x576xf32>,
    %slice3A_184 = vector.extract_strided_slice %reshape3A {offsets = [0, 0], sizes = [24, 576], strides = [1, 1]} : vector<96x1152xf32> to vector<24x576xf32>
    %swap3A_185 = arith.constant 0 : index
    %swap3A_186 = arith.constant 0 : index
    %swap3A_187 = arith.constant 552 : index
    %swap3A_188 = arith.constant 0 : index
    %swap3A_189 = vector.load %arg2[%swap3A_185, %swap3A_186, %swap3A_187, %swap3A_188] : memref<1x4x576x576xf32, #tpu.memory_space<vmem>>, vector<1x1x24x576xf32>
    %swap3A_190 = vector.shape_cast %swap3A_189 : vector<1x1x24x576xf32> to vector<24x576xf32>
    %swap3A_191 = vector.shape_cast %slice3A_184 : vector<24x576xf32> to vector<1x1x24x576xf32>
    tpu.vector_store %arg2[%swap3A_185, %swap3A_186, %swap3A_187, %swap3A_188], %swap3A_191 {strides = array<i32>} : memref<1x4x576x576xf32, #tpu.memory_space<vmem>>, vector<1x1x24x576xf32>,
    %slice3A_192 = vector.extract_strided_slice %reshape3A {offsets = [24, 552], sizes = [24, 576], strides = [1, 1]} : vector<96x1152xf32> to vector<24x576xf32>
    %swap3A_193 = arith.constant 0 : index
    %swap3A_194 = arith.constant 1 : index
    %swap3A_195 = arith.constant 0 : index
    %swap3A_196 = arith.constant 0 : index
    %swap3A_197 = vector.load %arg2[%swap3A_193, %swap3A_194, %swap3A_195, %swap3A_196] : memref<1x4x576x576xf32, #tpu.memory_space<vmem>>, vector<1x1x24x576xf32>
    %swap3A_198 = vector.shape_cast %swap3A_197 : vector<1x1x24x576xf32> to vector<24x576xf32>
    %swap3A_199 = vector.shape_cast %slice3A_192 : vector<24x576xf32> to vector<1x1x24x576xf32>
    tpu.vector_store %arg2[%swap3A_193, %swap3A_194, %swap3A_195, %swap3A_196], %swap3A_199 {strides = array<i32>} : memref<1x4x576x576xf32, #tpu.memory_space<vmem>>, vector<1x1x24x576xf32>,
    %slice3A_200 = vector.extract_strided_slice %reshape3A {offsets = [24, 528], sizes = [24, 576], strides = [1, 1]} : vector<96x1152xf32> to vector<24x576xf32>
    %swap3A_201 = arith.constant 0 : index
    %swap3A_202 = arith.constant 1 : index
    %swap3A_203 = arith.constant 24 : index
    %swap3A_204 = arith.constant 0 : index
    %swap3A_205 = vector.load %arg2[%swap3A_201, %swap3A_202, %swap3A_203, %swap3A_204] : memref<1x4x576x576xf32, #tpu.memory_space<vmem>>, vector<1x1x24x576xf32>
    %swap3A_206 = vector.shape_cast %swap3A_205 : vector<1x1x24x576xf32> to vector<24x576xf32>
    %swap3A_207 = vector.shape_cast %slice3A_200 : vector<24x576xf32> to vector<1x1x24x576xf32>
    tpu.vector_store %arg2[%swap3A_201, %swap3A_202, %swap3A_203, %swap3A_204], %swap3A_207 {strides = array<i32>} : memref<1x4x576x576xf32, #tpu.memory_space<vmem>>, vector<1x1x24x576xf32>,
    %slice3A_208 = vector.extract_strided_slice %reshape3A {offsets = [24, 504], sizes = [24, 576], strides = [1, 1]} : vector<96x1152xf32> to vector<24x576xf32>
    %swap3A_209 = arith.constant 0 : index
    %swap3A_210 = arith.constant 1 : index
    %swap3A_211 = arith.constant 48 : index
    %swap3A_212 = arith.constant 0 : index
    %swap3A_213 = vector.load %arg2[%swap3A_209, %swap3A_210, %swap3A_211, %swap3A_212] : memref<1x4x576x576xf32, #tpu.memory_space<vmem>>, vector<1x1x24x576xf32>
    %swap3A_214 = vector.shape_cast %swap3A_213 : vector<1x1x24x576xf32> to vector<24x576xf32>
    %swap3A_215 = vector.shape_cast %slice3A_208 : vector<24x576xf32> to vector<1x1x24x576xf32>
    tpu.vector_store %arg2[%swap3A_209, %swap3A_210, %swap3A_211, %swap3A_212], %swap3A_215 {strides = array<i32>} : memref<1x4x576x576xf32, #tpu.memory_space<vmem>>, vector<1x1x24x576xf32>,
    %slice3A_216 = vector.extract_strided_slice %reshape3A {offsets = [24, 480], sizes = [24, 576], strides = [1, 1]} : vector<96x1152xf32> to vector<24x576xf32>
    %swap3A_217 = arith.constant 0 : index
    %swap3A_218 = arith.constant 1 : index
    %swap3A_219 = arith.constant 72 : index
    %swap3A_220 = arith.constant 0 : index
    %swap3A_221 = vector.load %arg2[%swap3A_217, %swap3A_218, %swap3A_219, %swap3A_220] : memref<1x4x576x576xf32, #tpu.memory_space<vmem>>, vector<1x1x24x576xf32>
    %swap3A_222 = vector.shape_cast %swap3A_221 : vector<1x1x24x576xf32> to vector<24x576xf32>
    %swap3A_223 = vector.shape_cast %slice3A_216 : vector<24x576xf32> to vector<1x1x24x576xf32>
    tpu.vector_store %arg2[%swap3A_217, %swap3A_218, %swap3A_219, %swap3A_220], %swap3A_223 {strides = array<i32>} : memref<1x4x576x576xf32, #tpu.memory_space<vmem>>, vector<1x1x24x576xf32>,
    %slice3A_224 = vector.extract_strided_slice %reshape3A {offsets = [24, 456], sizes = [24, 576], strides = [1, 1]} : vector<96x1152xf32> to vector<24x576xf32>
    %swap3A_225 = arith.constant 0 : index
    %swap3A_226 = arith.constant 1 : index
    %swap3A_227 = arith.constant 96 : index
    %swap3A_228 = arith.constant 0 : index
    %swap3A_229 = vector.load %arg2[%swap3A_225, %swap3A_226, %swap3A_227, %swap3A_228] : memref<1x4x576x576xf32, #tpu.memory_space<vmem>>, vector<1x1x24x576xf32>
    %swap3A_230 = vector.shape_cast %swap3A_229 : vector<1x1x24x576xf32> to vector<24x576xf32>
    %swap3A_231 = vector.shape_cast %slice3A_224 : vector<24x576xf32> to vector<1x1x24x576xf32>
    tpu.vector_store %arg2[%swap3A_225, %swap3A_226, %swap3A_227, %swap3A_228], %swap3A_231 {strides = array<i32>} : memref<1x4x576x576xf32, #tpu.memory_space<vmem>>, vector<1x1x24x576xf32>,
    %slice3A_232 = vector.extract_strided_slice %reshape3A {offsets = [24, 432], sizes = [24, 576], strides = [1, 1]} : vector<96x1152xf32> to vector<24x576xf32>
    %swap3A_233 = arith.constant 0 : index
    %swap3A_234 = arith.constant 1 : index
    %swap3A_235 = arith.constant 120 : index
    %swap3A_236 = arith.constant 0 : index
    %swap3A_237 = vector.load %arg2[%swap3A_233, %swap3A_234, %swap3A_235, %swap3A_236] : memref<1x4x576x576xf32, #tpu.memory_space<vmem>>, vector<1x1x24x576xf32>
    %swap3A_238 = vector.shape_cast %swap3A_237 : vector<1x1x24x576xf32> to vector<24x576xf32>
    %swap3A_239 = vector.shape_cast %slice3A_232 : vector<24x576xf32> to vector<1x1x24x576xf32>
    tpu.vector_store %arg2[%swap3A_233, %swap3A_234, %swap3A_235, %swap3A_236], %swap3A_239 {strides = array<i32>} : memref<1x4x576x576xf32, #tpu.memory_space<vmem>>, vector<1x1x24x576xf32>,
    %slice3A_240 = vector.extract_strided_slice %reshape3A {offsets = [24, 408], sizes = [24, 576], strides = [1, 1]} : vector<96x1152xf32> to vector<24x576xf32>
    %swap3A_241 = arith.constant 0 : index
    %swap3A_242 = arith.constant 1 : index
    %swap3A_243 = arith.constant 144 : index
    %swap3A_244 = arith.constant 0 : index
    %swap3A_245 = vector.load %arg2[%swap3A_241, %swap3A_242, %swap3A_243, %swap3A_244] : memref<1x4x576x576xf32, #tpu.memory_space<vmem>>, vector<1x1x24x576xf32>
    %swap3A_246 = vector.shape_cast %swap3A_245 : vector<1x1x24x576xf32> to vector<24x576xf32>
    %swap3A_247 = vector.shape_cast %slice3A_240 : vector<24x576xf32> to vector<1x1x24x576xf32>
    tpu.vector_store %arg2[%swap3A_241, %swap3A_242, %swap3A_243, %swap3A_244], %swap3A_247 {strides = array<i32>} : memref<1x4x576x576xf32, #tpu.memory_space<vmem>>, vector<1x1x24x576xf32>,
    %slice3A_248 = vector.extract_strided_slice %reshape3A {offsets = [24, 384], sizes = [24, 576], strides = [1, 1]} : vector<96x1152xf32> to vector<24x576xf32>
    %swap3A_249 = arith.constant 0 : index
    %swap3A_250 = arith.constant 1 : index
    %swap3A_251 = arith.constant 168 : index
    %swap3A_252 = arith.constant 0 : index
    %swap3A_253 = vector.load %arg2[%swap3A_249, %swap3A_250, %swap3A_251, %swap3A_252] : memref<1x4x576x576xf32, #tpu.memory_space<vmem>>, vector<1x1x24x576xf32>
    %swap3A_254 = vector.shape_cast %swap3A_253 : vector<1x1x24x576xf32> to vector<24x576xf32>
    %swap3A_255 = vector.shape_cast %slice3A_248 : vector<24x576xf32> to vector<1x1x24x576xf32>
    tpu.vector_store %arg2[%swap3A_249, %swap3A_250, %swap3A_251, %swap3A_252], %swap3A_255 {strides = array<i32>} : memref<1x4x576x576xf32, #tpu.memory_space<vmem>>, vector<1x1x24x576xf32>,
    %slice3A_256 = vector.extract_strided_slice %reshape3A {offsets = [24, 360], sizes = [24, 576], strides = [1, 1]} : vector<96x1152xf32> to vector<24x576xf32>
    %swap3A_257 = arith.constant 0 : index
    %swap3A_258 = arith.constant 1 : index
    %swap3A_259 = arith.constant 192 : index
    %swap3A_260 = arith.constant 0 : index
    %swap3A_261 = vector.load %arg2[%swap3A_257, %swap3A_258, %swap3A_259, %swap3A_260] : memref<1x4x576x576xf32, #tpu.memory_space<vmem>>, vector<1x1x24x576xf32>
    %swap3A_262 = vector.shape_cast %swap3A_261 : vector<1x1x24x576xf32> to vector<24x576xf32>
    %swap3A_263 = vector.shape_cast %slice3A_256 : vector<24x576xf32> to vector<1x1x24x576xf32>
    tpu.vector_store %arg2[%swap3A_257, %swap3A_258, %swap3A_259, %swap3A_260], %swap3A_263 {strides = array<i32>} : memref<1x4x576x576xf32, #tpu.memory_space<vmem>>, vector<1x1x24x576xf32>,
    %slice3A_264 = vector.extract_strided_slice %reshape3A {offsets = [24, 336], sizes = [24, 576], strides = [1, 1]} : vector<96x1152xf32> to vector<24x576xf32>
    %swap3A_265 = arith.constant 0 : index
    %swap3A_266 = arith.constant 1 : index
    %swap3A_267 = arith.constant 216 : index
    %swap3A_268 = arith.constant 0 : index
    %swap3A_269 = vector.load %arg2[%swap3A_265, %swap3A_266, %swap3A_267, %swap3A_268] : memref<1x4x576x576xf32, #tpu.memory_space<vmem>>, vector<1x1x24x576xf32>
    %swap3A_270 = vector.shape_cast %swap3A_269 : vector<1x1x24x576xf32> to vector<24x576xf32>
    %swap3A_271 = vector.shape_cast %slice3A_264 : vector<24x576xf32> to vector<1x1x24x576xf32>
    tpu.vector_store %arg2[%swap3A_265, %swap3A_266, %swap3A_267, %swap3A_268], %swap3A_271 {strides = array<i32>} : memref<1x4x576x576xf32, #tpu.memory_space<vmem>>, vector<1x1x24x576xf32>,
    %slice3A_272 = vector.extract_strided_slice %reshape3A {offsets = [24, 312], sizes = [24, 576], strides = [1, 1]} : vector<96x1152xf32> to vector<24x576xf32>
    %swap3A_273 = arith.constant 0 : index
    %swap3A_274 = arith.constant 1 : index
    %swap3A_275 = arith.constant 240 : index
    %swap3A_276 = arith.constant 0 : index
    %swap3A_277 = vector.load %arg2[%swap3A_273, %swap3A_274, %swap3A_275, %swap3A_276] : memref<1x4x576x576xf32, #tpu.memory_space<vmem>>, vector<1x1x24x576xf32>
    %swap3A_278 = vector.shape_cast %swap3A_277 : vector<1x1x24x576xf32> to vector<24x576xf32>
    %swap3A_279 = vector.shape_cast %slice3A_272 : vector<24x576xf32> to vector<1x1x24x576xf32>
    tpu.vector_store %arg2[%swap3A_273, %swap3A_274, %swap3A_275, %swap3A_276], %swap3A_279 {strides = array<i32>} : memref<1x4x576x576xf32, #tpu.memory_space<vmem>>, vector<1x1x24x576xf32>,
    %slice3A_280 = vector.extract_strided_slice %reshape3A {offsets = [24, 288], sizes = [24, 576], strides = [1, 1]} : vector<96x1152xf32> to vector<24x576xf32>
    %swap3A_281 = arith.constant 0 : index
    %swap3A_282 = arith.constant 1 : index
    %swap3A_283 = arith.constant 264 : index
    %swap3A_284 = arith.constant 0 : index
    %swap3A_285 = vector.load %arg2[%swap3A_281, %swap3A_282, %swap3A_283, %swap3A_284] : memref<1x4x576x576xf32, #tpu.memory_space<vmem>>, vector<1x1x24x576xf32>
    %swap3A_286 = vector.shape_cast %swap3A_285 : vector<1x1x24x576xf32> to vector<24x576xf32>
    %swap3A_287 = vector.shape_cast %slice3A_280 : vector<24x576xf32> to vector<1x1x24x576xf32>
    tpu.vector_store %arg2[%swap3A_281, %swap3A_282, %swap3A_283, %swap3A_284], %swap3A_287 {strides = array<i32>} : memref<1x4x576x576xf32, #tpu.memory_space<vmem>>, vector<1x1x24x576xf32>,
    %slice3A_288 = vector.extract_strided_slice %reshape3A {offsets = [24, 264], sizes = [24, 576], strides = [1, 1]} : vector<96x1152xf32> to vector<24x576xf32>
    %swap3A_289 = arith.constant 0 : index
    %swap3A_290 = arith.constant 1 : index
    %swap3A_291 = arith.constant 288 : index
    %swap3A_292 = arith.constant 0 : index
    %swap3A_293 = vector.load %arg2[%swap3A_289, %swap3A_290, %swap3A_291, %swap3A_292] : memref<1x4x576x576xf32, #tpu.memory_space<vmem>>, vector<1x1x24x576xf32>
    %swap3A_294 = vector.shape_cast %swap3A_293 : vector<1x1x24x576xf32> to vector<24x576xf32>
    %swap3A_295 = vector.shape_cast %slice3A_288 : vector<24x576xf32> to vector<1x1x24x576xf32>
    tpu.vector_store %arg2[%swap3A_289, %swap3A_290, %swap3A_291, %swap3A_292], %swap3A_295 {strides = array<i32>} : memref<1x4x576x576xf32, #tpu.memory_space<vmem>>, vector<1x1x24x576xf32>,
    %slice3A_296 = vector.extract_strided_slice %reshape3A {offsets = [24, 240], sizes = [24, 576], strides = [1, 1]} : vector<96x1152xf32> to vector<24x576xf32>
    %swap3A_297 = arith.constant 0 : index
    %swap3A_298 = arith.constant 1 : index
    %swap3A_299 = arith.constant 312 : index
    %swap3A_300 = arith.constant 0 : index
    %swap3A_301 = vector.load %arg2[%swap3A_297, %swap3A_298, %swap3A_299, %swap3A_300] : memref<1x4x576x576xf32, #tpu.memory_space<vmem>>, vector<1x1x24x576xf32>
    %swap3A_302 = vector.shape_cast %swap3A_301 : vector<1x1x24x576xf32> to vector<24x576xf32>
    %swap3A_303 = vector.shape_cast %slice3A_296 : vector<24x576xf32> to vector<1x1x24x576xf32>
    tpu.vector_store %arg2[%swap3A_297, %swap3A_298, %swap3A_299, %swap3A_300], %swap3A_303 {strides = array<i32>} : memref<1x4x576x576xf32, #tpu.memory_space<vmem>>, vector<1x1x24x576xf32>,
    %slice3A_304 = vector.extract_strided_slice %reshape3A {offsets = [24, 216], sizes = [24, 576], strides = [1, 1]} : vector<96x1152xf32> to vector<24x576xf32>
    %swap3A_305 = arith.constant 0 : index
    %swap3A_306 = arith.constant 1 : index
    %swap3A_307 = arith.constant 336 : index
    %swap3A_308 = arith.constant 0 : index
    %swap3A_309 = vector.load %arg2[%swap3A_305, %swap3A_306, %swap3A_307, %swap3A_308] : memref<1x4x576x576xf32, #tpu.memory_space<vmem>>, vector<1x1x24x576xf32>
    %swap3A_310 = vector.shape_cast %swap3A_309 : vector<1x1x24x576xf32> to vector<24x576xf32>
    %swap3A_311 = vector.shape_cast %slice3A_304 : vector<24x576xf32> to vector<1x1x24x576xf32>
    tpu.vector_store %arg2[%swap3A_305, %swap3A_306, %swap3A_307, %swap3A_308], %swap3A_311 {strides = array<i32>} : memref<1x4x576x576xf32, #tpu.memory_space<vmem>>, vector<1x1x24x576xf32>,
    %slice3A_312 = vector.extract_strided_slice %reshape3A {offsets = [24, 192], sizes = [24, 576], strides = [1, 1]} : vector<96x1152xf32> to vector<24x576xf32>
    %swap3A_313 = arith.constant 0 : index
    %swap3A_314 = arith.constant 1 : index
    %swap3A_315 = arith.constant 360 : index
    %swap3A_316 = arith.constant 0 : index
    %swap3A_317 = vector.load %arg2[%swap3A_313, %swap3A_314, %swap3A_315, %swap3A_316] : memref<1x4x576x576xf32, #tpu.memory_space<vmem>>, vector<1x1x24x576xf32>
    %swap3A_318 = vector.shape_cast %swap3A_317 : vector<1x1x24x576xf32> to vector<24x576xf32>
    %swap3A_319 = vector.shape_cast %slice3A_312 : vector<24x576xf32> to vector<1x1x24x576xf32>
    tpu.vector_store %arg2[%swap3A_313, %swap3A_314, %swap3A_315, %swap3A_316], %swap3A_319 {strides = array<i32>} : memref<1x4x576x576xf32, #tpu.memory_space<vmem>>, vector<1x1x24x576xf32>,
    %slice3A_320 = vector.extract_strided_slice %reshape3A {offsets = [24, 168], sizes = [24, 576], strides = [1, 1]} : vector<96x1152xf32> to vector<24x576xf32>
    %swap3A_321 = arith.constant 0 : index
    %swap3A_322 = arith.constant 1 : index
    %swap3A_323 = arith.constant 384 : index
    %swap3A_324 = arith.constant 0 : index
    %swap3A_325 = vector.load %arg2[%swap3A_321, %swap3A_322, %swap3A_323, %swap3A_324] : memref<1x4x576x576xf32, #tpu.memory_space<vmem>>, vector<1x1x24x576xf32>
    %swap3A_326 = vector.shape_cast %swap3A_325 : vector<1x1x24x576xf32> to vector<24x576xf32>
    %swap3A_327 = vector.shape_cast %slice3A_320 : vector<24x576xf32> to vector<1x1x24x576xf32>
    tpu.vector_store %arg2[%swap3A_321, %swap3A_322, %swap3A_323, %swap3A_324], %swap3A_327 {strides = array<i32>} : memref<1x4x576x576xf32, #tpu.memory_space<vmem>>, vector<1x1x24x576xf32>,
    %slice3A_328 = vector.extract_strided_slice %reshape3A {offsets = [24, 144], sizes = [24, 576], strides = [1, 1]} : vector<96x1152xf32> to vector<24x576xf32>
    %swap3A_329 = arith.constant 0 : index
    %swap3A_330 = arith.constant 1 : index
    %swap3A_331 = arith.constant 408 : index
    %swap3A_332 = arith.constant 0 : index
    %swap3A_333 = vector.load %arg2[%swap3A_329, %swap3A_330, %swap3A_331, %swap3A_332] : memref<1x4x576x576xf32, #tpu.memory_space<vmem>>, vector<1x1x24x576xf32>
    %swap3A_334 = vector.shape_cast %swap3A_333 : vector<1x1x24x576xf32> to vector<24x576xf32>
    %swap3A_335 = vector.shape_cast %slice3A_328 : vector<24x576xf32> to vector<1x1x24x576xf32>
    tpu.vector_store %arg2[%swap3A_329, %swap3A_330, %swap3A_331, %swap3A_332], %swap3A_335 {strides = array<i32>} : memref<1x4x576x576xf32, #tpu.memory_space<vmem>>, vector<1x1x24x576xf32>,
    %slice3A_336 = vector.extract_strided_slice %reshape3A {offsets = [24, 120], sizes = [24, 576], strides = [1, 1]} : vector<96x1152xf32> to vector<24x576xf32>
    %swap3A_337 = arith.constant 0 : index
    %swap3A_338 = arith.constant 1 : index
    %swap3A_339 = arith.constant 432 : index
    %swap3A_340 = arith.constant 0 : index
    %swap3A_341 = vector.load %arg2[%swap3A_337, %swap3A_338, %swap3A_339, %swap3A_340] : memref<1x4x576x576xf32, #tpu.memory_space<vmem>>, vector<1x1x24x576xf32>
    %swap3A_342 = vector.shape_cast %swap3A_341 : vector<1x1x24x576xf32> to vector<24x576xf32>
    %swap3A_343 = vector.shape_cast %slice3A_336 : vector<24x576xf32> to vector<1x1x24x576xf32>
    tpu.vector_store %arg2[%swap3A_337, %swap3A_338, %swap3A_339, %swap3A_340], %swap3A_343 {strides = array<i32>} : memref<1x4x576x576xf32, #tpu.memory_space<vmem>>, vector<1x1x24x576xf32>,
    %slice3A_344 = vector.extract_strided_slice %reshape3A {offsets = [24, 96], sizes = [24, 576], strides = [1, 1]} : vector<96x1152xf32> to vector<24x576xf32>
    %swap3A_345 = arith.constant 0 : index
    %swap3A_346 = arith.constant 1 : index
    %swap3A_347 = arith.constant 456 : index
    %swap3A_348 = arith.constant 0 : index
    %swap3A_349 = vector.load %arg2[%swap3A_345, %swap3A_346, %swap3A_347, %swap3A_348] : memref<1x4x576x576xf32, #tpu.memory_space<vmem>>, vector<1x1x24x576xf32>
    %swap3A_350 = vector.shape_cast %swap3A_349 : vector<1x1x24x576xf32> to vector<24x576xf32>
    %swap3A_351 = vector.shape_cast %slice3A_344 : vector<24x576xf32> to vector<1x1x24x576xf32>
    tpu.vector_store %arg2[%swap3A_345, %swap3A_346, %swap3A_347, %swap3A_348], %swap3A_351 {strides = array<i32>} : memref<1x4x576x576xf32, #tpu.memory_space<vmem>>, vector<1x1x24x576xf32>,
    %slice3A_352 = vector.extract_strided_slice %reshape3A {offsets = [24, 72], sizes = [24, 576], strides = [1, 1]} : vector<96x1152xf32> to vector<24x576xf32>
    %swap3A_353 = arith.constant 0 : index
    %swap3A_354 = arith.constant 1 : index
    %swap3A_355 = arith.constant 480 : index
    %swap3A_356 = arith.constant 0 : index
    %swap3A_357 = vector.load %arg2[%swap3A_353, %swap3A_354, %swap3A_355, %swap3A_356] : memref<1x4x576x576xf32, #tpu.memory_space<vmem>>, vector<1x1x24x576xf32>
    %swap3A_358 = vector.shape_cast %swap3A_357 : vector<1x1x24x576xf32> to vector<24x576xf32>
    %swap3A_359 = vector.shape_cast %slice3A_352 : vector<24x576xf32> to vector<1x1x24x576xf32>
    tpu.vector_store %arg2[%swap3A_353, %swap3A_354, %swap3A_355, %swap3A_356], %swap3A_359 {strides = array<i32>} : memref<1x4x576x576xf32, #tpu.memory_space<vmem>>, vector<1x1x24x576xf32>,
    %slice3A_360 = vector.extract_strided_slice %reshape3A {offsets = [24, 48], sizes = [24, 576], strides = [1, 1]} : vector<96x1152xf32> to vector<24x576xf32>
    %swap3A_361 = arith.constant 0 : index
    %swap3A_362 = arith.constant 1 : index
    %swap3A_363 = arith.constant 504 : index
    %swap3A_364 = arith.constant 0 : index
    %swap3A_365 = vector.load %arg2[%swap3A_361, %swap3A_362, %swap3A_363, %swap3A_364] : memref<1x4x576x576xf32, #tpu.memory_space<vmem>>, vector<1x1x24x576xf32>
    %swap3A_366 = vector.shape_cast %swap3A_365 : vector<1x1x24x576xf32> to vector<24x576xf32>
    %swap3A_367 = vector.shape_cast %slice3A_360 : vector<24x576xf32> to vector<1x1x24x576xf32>
    tpu.vector_store %arg2[%swap3A_361, %swap3A_362, %swap3A_363, %swap3A_364], %swap3A_367 {strides = array<i32>} : memref<1x4x576x576xf32, #tpu.memory_space<vmem>>, vector<1x1x24x576xf32>,
    %slice3A_368 = vector.extract_strided_slice %reshape3A {offsets = [24, 24], sizes = [24, 576], strides = [1, 1]} : vector<96x1152xf32> to vector<24x576xf32>
    %swap3A_369 = arith.constant 0 : index
    %swap3A_370 = arith.constant 1 : index
    %swap3A_371 = arith.constant 528 : index
    %swap3A_372 = arith.constant 0 : index
    %swap3A_373 = vector.load %arg2[%swap3A_369, %swap3A_370, %swap3A_371, %swap3A_372] : memref<1x4x576x576xf32, #tpu.memory_space<vmem>>, vector<1x1x24x576xf32>
    %swap3A_374 = vector.shape_cast %swap3A_373 : vector<1x1x24x576xf32> to vector<24x576xf32>
    %swap3A_375 = vector.shape_cast %slice3A_368 : vector<24x576xf32> to vector<1x1x24x576xf32>
    tpu.vector_store %arg2[%swap3A_369, %swap3A_370, %swap3A_371, %swap3A_372], %swap3A_375 {strides = array<i32>} : memref<1x4x576x576xf32, #tpu.memory_space<vmem>>, vector<1x1x24x576xf32>,
    %slice3A_376 = vector.extract_strided_slice %reshape3A {offsets = [24, 0], sizes = [24, 576], strides = [1, 1]} : vector<96x1152xf32> to vector<24x576xf32>
    %swap3A_377 = arith.constant 0 : index
    %swap3A_378 = arith.constant 1 : index
    %swap3A_379 = arith.constant 552 : index
    %swap3A_380 = arith.constant 0 : index
    %swap3A_381 = vector.load %arg2[%swap3A_377, %swap3A_378, %swap3A_379, %swap3A_380] : memref<1x4x576x576xf32, #tpu.memory_space<vmem>>, vector<1x1x24x576xf32>
    %swap3A_382 = vector.shape_cast %swap3A_381 : vector<1x1x24x576xf32> to vector<24x576xf32>
    %swap3A_383 = vector.shape_cast %slice3A_376 : vector<24x576xf32> to vector<1x1x24x576xf32>
    tpu.vector_store %arg2[%swap3A_377, %swap3A_378, %swap3A_379, %swap3A_380], %swap3A_383 {strides = array<i32>} : memref<1x4x576x576xf32, #tpu.memory_space<vmem>>, vector<1x1x24x576xf32>,
    %slice3A_384 = vector.extract_strided_slice %reshape3A {offsets = [48, 552], sizes = [24, 576], strides = [1, 1]} : vector<96x1152xf32> to vector<24x576xf32>
    %swap3A_385 = arith.constant 0 : index
    %swap3A_386 = arith.constant 2 : index
    %swap3A_387 = arith.constant 0 : index
    %swap3A_388 = arith.constant 0 : index
    %swap3A_389 = vector.load %arg2[%swap3A_385, %swap3A_386, %swap3A_387, %swap3A_388] : memref<1x4x576x576xf32, #tpu.memory_space<vmem>>, vector<1x1x24x576xf32>
    %swap3A_390 = vector.shape_cast %swap3A_389 : vector<1x1x24x576xf32> to vector<24x576xf32>
    %swap3A_391 = vector.shape_cast %slice3A_384 : vector<24x576xf32> to vector<1x1x24x576xf32>
    tpu.vector_store %arg2[%swap3A_385, %swap3A_386, %swap3A_387, %swap3A_388], %swap3A_391 {strides = array<i32>} : memref<1x4x576x576xf32, #tpu.memory_space<vmem>>, vector<1x1x24x576xf32>,
    %slice3A_392 = vector.extract_strided_slice %reshape3A {offsets = [48, 528], sizes = [24, 576], strides = [1, 1]} : vector<96x1152xf32> to vector<24x576xf32>
    %swap3A_393 = arith.constant 0 : index
    %swap3A_394 = arith.constant 2 : index
    %swap3A_395 = arith.constant 24 : index
    %swap3A_396 = arith.constant 0 : index
    %swap3A_397 = vector.load %arg2[%swap3A_393, %swap3A_394, %swap3A_395, %swap3A_396] : memref<1x4x576x576xf32, #tpu.memory_space<vmem>>, vector<1x1x24x576xf32>
    %swap3A_398 = vector.shape_cast %swap3A_397 : vector<1x1x24x576xf32> to vector<24x576xf32>
    %swap3A_399 = vector.shape_cast %slice3A_392 : vector<24x576xf32> to vector<1x1x24x576xf32>
    tpu.vector_store %arg2[%swap3A_393, %swap3A_394, %swap3A_395, %swap3A_396], %swap3A_399 {strides = array<i32>} : memref<1x4x576x576xf32, #tpu.memory_space<vmem>>, vector<1x1x24x576xf32>,
    %slice3A_400 = vector.extract_strided_slice %reshape3A {offsets = [48, 504], sizes = [24, 576], strides = [1, 1]} : vector<96x1152xf32> to vector<24x576xf32>
    %swap3A_401 = arith.constant 0 : index
    %swap3A_402 = arith.constant 2 : index
    %swap3A_403 = arith.constant 48 : index
    %swap3A_404 = arith.constant 0 : index
    %swap3A_405 = vector.load %arg2[%swap3A_401, %swap3A_402, %swap3A_403, %swap3A_404] : memref<1x4x576x576xf32, #tpu.memory_space<vmem>>, vector<1x1x24x576xf32>
    %swap3A_406 = vector.shape_cast %swap3A_405 : vector<1x1x24x576xf32> to vector<24x576xf32>
    %swap3A_407 = vector.shape_cast %slice3A_400 : vector<24x576xf32> to vector<1x1x24x576xf32>
    tpu.vector_store %arg2[%swap3A_401, %swap3A_402, %swap3A_403, %swap3A_404], %swap3A_407 {strides = array<i32>} : memref<1x4x576x576xf32, #tpu.memory_space<vmem>>, vector<1x1x24x576xf32>,
    %slice3A_408 = vector.extract_strided_slice %reshape3A {offsets = [48, 480], sizes = [24, 576], strides = [1, 1]} : vector<96x1152xf32> to vector<24x576xf32>
    %swap3A_409 = arith.constant 0 : index
    %swap3A_410 = arith.constant 2 : index
    %swap3A_411 = arith.constant 72 : index
    %swap3A_412 = arith.constant 0 : index
    %swap3A_413 = vector.load %arg2[%swap3A_409, %swap3A_410, %swap3A_411, %swap3A_412] : memref<1x4x576x576xf32, #tpu.memory_space<vmem>>, vector<1x1x24x576xf32>
    %swap3A_414 = vector.shape_cast %swap3A_413 : vector<1x1x24x576xf32> to vector<24x576xf32>
    %swap3A_415 = vector.shape_cast %slice3A_408 : vector<24x576xf32> to vector<1x1x24x576xf32>
    tpu.vector_store %arg2[%swap3A_409, %swap3A_410, %swap3A_411, %swap3A_412], %swap3A_415 {strides = array<i32>} : memref<1x4x576x576xf32, #tpu.memory_space<vmem>>, vector<1x1x24x576xf32>,
    %slice3A_416 = vector.extract_strided_slice %reshape3A {offsets = [48, 456], sizes = [24, 576], strides = [1, 1]} : vector<96x1152xf32> to vector<24x576xf32>
    %swap3A_417 = arith.constant 0 : index
    %swap3A_418 = arith.constant 2 : index
    %swap3A_419 = arith.constant 96 : index
    %swap3A_420 = arith.constant 0 : index
    %swap3A_421 = vector.load %arg2[%swap3A_417, %swap3A_418, %swap3A_419, %swap3A_420] : memref<1x4x576x576xf32, #tpu.memory_space<vmem>>, vector<1x1x24x576xf32>
    %swap3A_422 = vector.shape_cast %swap3A_421 : vector<1x1x24x576xf32> to vector<24x576xf32>
    %swap3A_423 = vector.shape_cast %slice3A_416 : vector<24x576xf32> to vector<1x1x24x576xf32>
    tpu.vector_store %arg2[%swap3A_417, %swap3A_418, %swap3A_419, %swap3A_420], %swap3A_423 {strides = array<i32>} : memref<1x4x576x576xf32, #tpu.memory_space<vmem>>, vector<1x1x24x576xf32>,
    %slice3A_424 = vector.extract_strided_slice %reshape3A {offsets = [48, 432], sizes = [24, 576], strides = [1, 1]} : vector<96x1152xf32> to vector<24x576xf32>
    %swap3A_425 = arith.constant 0 : index
    %swap3A_426 = arith.constant 2 : index
    %swap3A_427 = arith.constant 120 : index
    %swap3A_428 = arith.constant 0 : index
    %swap3A_429 = vector.load %arg2[%swap3A_425, %swap3A_426, %swap3A_427, %swap3A_428] : memref<1x4x576x576xf32, #tpu.memory_space<vmem>>, vector<1x1x24x576xf32>
    %swap3A_430 = vector.shape_cast %swap3A_429 : vector<1x1x24x576xf32> to vector<24x576xf32>
    %swap3A_431 = vector.shape_cast %slice3A_424 : vector<24x576xf32> to vector<1x1x24x576xf32>
    tpu.vector_store %arg2[%swap3A_425, %swap3A_426, %swap3A_427, %swap3A_428], %swap3A_431 {strides = array<i32>} : memref<1x4x576x576xf32, #tpu.memory_space<vmem>>, vector<1x1x24x576xf32>,
    %slice3A_432 = vector.extract_strided_slice %reshape3A {offsets = [48, 408], sizes = [24, 576], strides = [1, 1]} : vector<96x1152xf32> to vector<24x576xf32>
    %swap3A_433 = arith.constant 0 : index
    %swap3A_434 = arith.constant 2 : index
    %swap3A_435 = arith.constant 144 : index
    %swap3A_436 = arith.constant 0 : index
    %swap3A_437 = vector.load %arg2[%swap3A_433, %swap3A_434, %swap3A_435, %swap3A_436] : memref<1x4x576x576xf32, #tpu.memory_space<vmem>>, vector<1x1x24x576xf32>
    %swap3A_438 = vector.shape_cast %swap3A_437 : vector<1x1x24x576xf32> to vector<24x576xf32>
    %swap3A_439 = vector.shape_cast %slice3A_432 : vector<24x576xf32> to vector<1x1x24x576xf32>
    tpu.vector_store %arg2[%swap3A_433, %swap3A_434, %swap3A_435, %swap3A_436], %swap3A_439 {strides = array<i32>} : memref<1x4x576x576xf32, #tpu.memory_space<vmem>>, vector<1x1x24x576xf32>,
    %slice3A_440 = vector.extract_strided_slice %reshape3A {offsets = [48, 384], sizes = [24, 576], strides = [1, 1]} : vector<96x1152xf32> to vector<24x576xf32>
    %swap3A_441 = arith.constant 0 : index
    %swap3A_442 = arith.constant 2 : index
    %swap3A_443 = arith.constant 168 : index
    %swap3A_444 = arith.constant 0 : index
    %swap3A_445 = vector.load %arg2[%swap3A_441, %swap3A_442, %swap3A_443, %swap3A_444] : memref<1x4x576x576xf32, #tpu.memory_space<vmem>>, vector<1x1x24x576xf32>
    %swap3A_446 = vector.shape_cast %swap3A_445 : vector<1x1x24x576xf32> to vector<24x576xf32>
    %swap3A_447 = vector.shape_cast %slice3A_440 : vector<24x576xf32> to vector<1x1x24x576xf32>
    tpu.vector_store %arg2[%swap3A_441, %swap3A_442, %swap3A_443, %swap3A_444], %swap3A_447 {strides = array<i32>} : memref<1x4x576x576xf32, #tpu.memory_space<vmem>>, vector<1x1x24x576xf32>,
    %slice3A_448 = vector.extract_strided_slice %reshape3A {offsets = [48, 360], sizes = [24, 576], strides = [1, 1]} : vector<96x1152xf32> to vector<24x576xf32>
    %swap3A_449 = arith.constant 0 : index
    %swap3A_450 = arith.constant 2 : index
    %swap3A_451 = arith.constant 192 : index
    %swap3A_452 = arith.constant 0 : index
    %swap3A_453 = vector.load %arg2[%swap3A_449, %swap3A_450, %swap3A_451, %swap3A_452] : memref<1x4x576x576xf32, #tpu.memory_space<vmem>>, vector<1x1x24x576xf32>
    %swap3A_454 = vector.shape_cast %swap3A_453 : vector<1x1x24x576xf32> to vector<24x576xf32>
    %swap3A_455 = vector.shape_cast %slice3A_448 : vector<24x576xf32> to vector<1x1x24x576xf32>
    tpu.vector_store %arg2[%swap3A_449, %swap3A_450, %swap3A_451, %swap3A_452], %swap3A_455 {strides = array<i32>} : memref<1x4x576x576xf32, #tpu.memory_space<vmem>>, vector<1x1x24x576xf32>,
    %slice3A_456 = vector.extract_strided_slice %reshape3A {offsets = [48, 336], sizes = [24, 576], strides = [1, 1]} : vector<96x1152xf32> to vector<24x576xf32>
    %swap3A_457 = arith.constant 0 : index
    %swap3A_458 = arith.constant 2 : index
    %swap3A_459 = arith.constant 216 : index
    %swap3A_460 = arith.constant 0 : index
    %swap3A_461 = vector.load %arg2[%swap3A_457, %swap3A_458, %swap3A_459, %swap3A_460] : memref<1x4x576x576xf32, #tpu.memory_space<vmem>>, vector<1x1x24x576xf32>
    %swap3A_462 = vector.shape_cast %swap3A_461 : vector<1x1x24x576xf32> to vector<24x576xf32>
    %swap3A_463 = vector.shape_cast %slice3A_456 : vector<24x576xf32> to vector<1x1x24x576xf32>
    tpu.vector_store %arg2[%swap3A_457, %swap3A_458, %swap3A_459, %swap3A_460], %swap3A_463 {strides = array<i32>} : memref<1x4x576x576xf32, #tpu.memory_space<vmem>>, vector<1x1x24x576xf32>,
    %slice3A_464 = vector.extract_strided_slice %reshape3A {offsets = [48, 312], sizes = [24, 576], strides = [1, 1]} : vector<96x1152xf32> to vector<24x576xf32>
    %swap3A_465 = arith.constant 0 : index
    %swap3A_466 = arith.constant 2 : index
    %swap3A_467 = arith.constant 240 : index
    %swap3A_468 = arith.constant 0 : index
    %swap3A_469 = vector.load %arg2[%swap3A_465, %swap3A_466, %swap3A_467, %swap3A_468] : memref<1x4x576x576xf32, #tpu.memory_space<vmem>>, vector<1x1x24x576xf32>
    %swap3A_470 = vector.shape_cast %swap3A_469 : vector<1x1x24x576xf32> to vector<24x576xf32>
    %swap3A_471 = vector.shape_cast %slice3A_464 : vector<24x576xf32> to vector<1x1x24x576xf32>
    tpu.vector_store %arg2[%swap3A_465, %swap3A_466, %swap3A_467, %swap3A_468], %swap3A_471 {strides = array<i32>} : memref<1x4x576x576xf32, #tpu.memory_space<vmem>>, vector<1x1x24x576xf32>,
    %slice3A_472 = vector.extract_strided_slice %reshape3A {offsets = [48, 288], sizes = [24, 576], strides = [1, 1]} : vector<96x1152xf32> to vector<24x576xf32>
    %swap3A_473 = arith.constant 0 : index
    %swap3A_474 = arith.constant 2 : index
    %swap3A_475 = arith.constant 264 : index
    %swap3A_476 = arith.constant 0 : index
    %swap3A_477 = vector.load %arg2[%swap3A_473, %swap3A_474, %swap3A_475, %swap3A_476] : memref<1x4x576x576xf32, #tpu.memory_space<vmem>>, vector<1x1x24x576xf32>
    %swap3A_478 = vector.shape_cast %swap3A_477 : vector<1x1x24x576xf32> to vector<24x576xf32>
    %swap3A_479 = vector.shape_cast %slice3A_472 : vector<24x576xf32> to vector<1x1x24x576xf32>
    tpu.vector_store %arg2[%swap3A_473, %swap3A_474, %swap3A_475, %swap3A_476], %swap3A_479 {strides = array<i32>} : memref<1x4x576x576xf32, #tpu.memory_space<vmem>>, vector<1x1x24x576xf32>,
    %slice3A_480 = vector.extract_strided_slice %reshape3A {offsets = [48, 264], sizes = [24, 576], strides = [1, 1]} : vector<96x1152xf32> to vector<24x576xf32>
    %swap3A_481 = arith.constant 0 : index
    %swap3A_482 = arith.constant 2 : index
    %swap3A_483 = arith.constant 288 : index
    %swap3A_484 = arith.constant 0 : index
    %swap3A_485 = vector.load %arg2[%swap3A_481, %swap3A_482, %swap3A_483, %swap3A_484] : memref<1x4x576x576xf32, #tpu.memory_space<vmem>>, vector<1x1x24x576xf32>
    %swap3A_486 = vector.shape_cast %swap3A_485 : vector<1x1x24x576xf32> to vector<24x576xf32>
    %swap3A_487 = vector.shape_cast %slice3A_480 : vector<24x576xf32> to vector<1x1x24x576xf32>
    tpu.vector_store %arg2[%swap3A_481, %swap3A_482, %swap3A_483, %swap3A_484], %swap3A_487 {strides = array<i32>} : memref<1x4x576x576xf32, #tpu.memory_space<vmem>>, vector<1x1x24x576xf32>,
    %slice3A_488 = vector.extract_strided_slice %reshape3A {offsets = [48, 240], sizes = [24, 576], strides = [1, 1]} : vector<96x1152xf32> to vector<24x576xf32>
    %swap3A_489 = arith.constant 0 : index
    %swap3A_490 = arith.constant 2 : index
    %swap3A_491 = arith.constant 312 : index
    %swap3A_492 = arith.constant 0 : index
    %swap3A_493 = vector.load %arg2[%swap3A_489, %swap3A_490, %swap3A_491, %swap3A_492] : memref<1x4x576x576xf32, #tpu.memory_space<vmem>>, vector<1x1x24x576xf32>
    %swap3A_494 = vector.shape_cast %swap3A_493 : vector<1x1x24x576xf32> to vector<24x576xf32>
    %swap3A_495 = vector.shape_cast %slice3A_488 : vector<24x576xf32> to vector<1x1x24x576xf32>
    tpu.vector_store %arg2[%swap3A_489, %swap3A_490, %swap3A_491, %swap3A_492], %swap3A_495 {strides = array<i32>} : memref<1x4x576x576xf32, #tpu.memory_space<vmem>>, vector<1x1x24x576xf32>,
    %slice3A_496 = vector.extract_strided_slice %reshape3A {offsets = [48, 216], sizes = [24, 576], strides = [1, 1]} : vector<96x1152xf32> to vector<24x576xf32>
    %swap3A_497 = arith.constant 0 : index
    %swap3A_498 = arith.constant 2 : index
    %swap3A_499 = arith.constant 336 : index
    %swap3A_500 = arith.constant 0 : index
    %swap3A_501 = vector.load %arg2[%swap3A_497, %swap3A_498, %swap3A_499, %swap3A_500] : memref<1x4x576x576xf32, #tpu.memory_space<vmem>>, vector<1x1x24x576xf32>
    %swap3A_502 = vector.shape_cast %swap3A_501 : vector<1x1x24x576xf32> to vector<24x576xf32>
    %swap3A_503 = vector.shape_cast %slice3A_496 : vector<24x576xf32> to vector<1x1x24x576xf32>
    tpu.vector_store %arg2[%swap3A_497, %swap3A_498, %swap3A_499, %swap3A_500], %swap3A_503 {strides = array<i32>} : memref<1x4x576x576xf32, #tpu.memory_space<vmem>>, vector<1x1x24x576xf32>,
    %slice3A_504 = vector.extract_strided_slice %reshape3A {offsets = [48, 192], sizes = [24, 576], strides = [1, 1]} : vector<96x1152xf32> to vector<24x576xf32>
    %swap3A_505 = arith.constant 0 : index
    %swap3A_506 = arith.constant 2 : index
    %swap3A_507 = arith.constant 360 : index
    %swap3A_508 = arith.constant 0 : index
    %swap3A_509 = vector.load %arg2[%swap3A_505, %swap3A_506, %swap3A_507, %swap3A_508] : memref<1x4x576x576xf32, #tpu.memory_space<vmem>>, vector<1x1x24x576xf32>
    %swap3A_510 = vector.shape_cast %swap3A_509 : vector<1x1x24x576xf32> to vector<24x576xf32>
    %swap3A_511 = vector.shape_cast %slice3A_504 : vector<24x576xf32> to vector<1x1x24x576xf32>
    tpu.vector_store %arg2[%swap3A_505, %swap3A_506, %swap3A_507, %swap3A_508], %swap3A_511 {strides = array<i32>} : memref<1x4x576x576xf32, #tpu.memory_space<vmem>>, vector<1x1x24x576xf32>,
    %slice3A_512 = vector.extract_strided_slice %reshape3A {offsets = [48, 168], sizes = [24, 576], strides = [1, 1]} : vector<96x1152xf32> to vector<24x576xf32>
    %swap3A_513 = arith.constant 0 : index
    %swap3A_514 = arith.constant 2 : index
    %swap3A_515 = arith.constant 384 : index
    %swap3A_516 = arith.constant 0 : index
    %swap3A_517 = vector.load %arg2[%swap3A_513, %swap3A_514, %swap3A_515, %swap3A_516] : memref<1x4x576x576xf32, #tpu.memory_space<vmem>>, vector<1x1x24x576xf32>
    %swap3A_518 = vector.shape_cast %swap3A_517 : vector<1x1x24x576xf32> to vector<24x576xf32>
    %swap3A_519 = vector.shape_cast %slice3A_512 : vector<24x576xf32> to vector<1x1x24x576xf32>
    tpu.vector_store %arg2[%swap3A_513, %swap3A_514, %swap3A_515, %swap3A_516], %swap3A_519 {strides = array<i32>} : memref<1x4x576x576xf32, #tpu.memory_space<vmem>>, vector<1x1x24x576xf32>,
    %slice3A_520 = vector.extract_strided_slice %reshape3A {offsets = [48, 144], sizes = [24, 576], strides = [1, 1]} : vector<96x1152xf32> to vector<24x576xf32>
    %swap3A_521 = arith.constant 0 : index
    %swap3A_522 = arith.constant 2 : index
    %swap3A_523 = arith.constant 408 : index
    %swap3A_524 = arith.constant 0 : index
    %swap3A_525 = vector.load %arg2[%swap3A_521, %swap3A_522, %swap3A_523, %swap3A_524] : memref<1x4x576x576xf32, #tpu.memory_space<vmem>>, vector<1x1x24x576xf32>
    %swap3A_526 = vector.shape_cast %swap3A_525 : vector<1x1x24x576xf32> to vector<24x576xf32>
    %swap3A_527 = vector.shape_cast %slice3A_520 : vector<24x576xf32> to vector<1x1x24x576xf32>
    tpu.vector_store %arg2[%swap3A_521, %swap3A_522, %swap3A_523, %swap3A_524], %swap3A_527 {strides = array<i32>} : memref<1x4x576x576xf32, #tpu.memory_space<vmem>>, vector<1x1x24x576xf32>,
    %slice3A_528 = vector.extract_strided_slice %reshape3A {offsets = [48, 120], sizes = [24, 576], strides = [1, 1]} : vector<96x1152xf32> to vector<24x576xf32>
    %swap3A_529 = arith.constant 0 : index
    %swap3A_530 = arith.constant 2 : index
    %swap3A_531 = arith.constant 432 : index
    %swap3A_532 = arith.constant 0 : index
    %swap3A_533 = vector.load %arg2[%swap3A_529, %swap3A_530, %swap3A_531, %swap3A_532] : memref<1x4x576x576xf32, #tpu.memory_space<vmem>>, vector<1x1x24x576xf32>
    %swap3A_534 = vector.shape_cast %swap3A_533 : vector<1x1x24x576xf32> to vector<24x576xf32>
    %swap3A_535 = vector.shape_cast %slice3A_528 : vector<24x576xf32> to vector<1x1x24x576xf32>
    tpu.vector_store %arg2[%swap3A_529, %swap3A_530, %swap3A_531, %swap3A_532], %swap3A_535 {strides = array<i32>} : memref<1x4x576x576xf32, #tpu.memory_space<vmem>>, vector<1x1x24x576xf32>,
    %slice3A_536 = vector.extract_strided_slice %reshape3A {offsets = [48, 96], sizes = [24, 576], strides = [1, 1]} : vector<96x1152xf32> to vector<24x576xf32>
    %swap3A_537 = arith.constant 0 : index
    %swap3A_538 = arith.constant 2 : index
    %swap3A_539 = arith.constant 456 : index
    %swap3A_540 = arith.constant 0 : index
    %swap3A_541 = vector.load %arg2[%swap3A_537, %swap3A_538, %swap3A_539, %swap3A_540] : memref<1x4x576x576xf32, #tpu.memory_space<vmem>>, vector<1x1x24x576xf32>
    %swap3A_542 = vector.shape_cast %swap3A_541 : vector<1x1x24x576xf32> to vector<24x576xf32>
    %swap3A_543 = vector.shape_cast %slice3A_536 : vector<24x576xf32> to vector<1x1x24x576xf32>
    tpu.vector_store %arg2[%swap3A_537, %swap3A_538, %swap3A_539, %swap3A_540], %swap3A_543 {strides = array<i32>} : memref<1x4x576x576xf32, #tpu.memory_space<vmem>>, vector<1x1x24x576xf32>,
    %slice3A_544 = vector.extract_strided_slice %reshape3A {offsets = [48, 72], sizes = [24, 576], strides = [1, 1]} : vector<96x1152xf32> to vector<24x576xf32>
    %swap3A_545 = arith.constant 0 : index
    %swap3A_546 = arith.constant 2 : index
    %swap3A_547 = arith.constant 480 : index
    %swap3A_548 = arith.constant 0 : index
    %swap3A_549 = vector.load %arg2[%swap3A_545, %swap3A_546, %swap3A_547, %swap3A_548] : memref<1x4x576x576xf32, #tpu.memory_space<vmem>>, vector<1x1x24x576xf32>
    %swap3A_550 = vector.shape_cast %swap3A_549 : vector<1x1x24x576xf32> to vector<24x576xf32>
    %swap3A_551 = vector.shape_cast %slice3A_544 : vector<24x576xf32> to vector<1x1x24x576xf32>
    tpu.vector_store %arg2[%swap3A_545, %swap3A_546, %swap3A_547, %swap3A_548], %swap3A_551 {strides = array<i32>} : memref<1x4x576x576xf32, #tpu.memory_space<vmem>>, vector<1x1x24x576xf32>,
    %slice3A_552 = vector.extract_strided_slice %reshape3A {offsets = [48, 48], sizes = [24, 576], strides = [1, 1]} : vector<96x1152xf32> to vector<24x576xf32>
    %swap3A_553 = arith.constant 0 : index
    %swap3A_554 = arith.constant 2 : index
    %swap3A_555 = arith.constant 504 : index
    %swap3A_556 = arith.constant 0 : index
    %swap3A_557 = vector.load %arg2[%swap3A_553, %swap3A_554, %swap3A_555, %swap3A_556] : memref<1x4x576x576xf32, #tpu.memory_space<vmem>>, vector<1x1x24x576xf32>
    %swap3A_558 = vector.shape_cast %swap3A_557 : vector<1x1x24x576xf32> to vector<24x576xf32>
    %swap3A_559 = vector.shape_cast %slice3A_552 : vector<24x576xf32> to vector<1x1x24x576xf32>
    tpu.vector_store %arg2[%swap3A_553, %swap3A_554, %swap3A_555, %swap3A_556], %swap3A_559 {strides = array<i32>} : memref<1x4x576x576xf32, #tpu.memory_space<vmem>>, vector<1x1x24x576xf32>,
    %slice3A_560 = vector.extract_strided_slice %reshape3A {offsets = [48, 24], sizes = [24, 576], strides = [1, 1]} : vector<96x1152xf32> to vector<24x576xf32>
    %swap3A_561 = arith.constant 0 : index
    %swap3A_562 = arith.constant 2 : index
    %swap3A_563 = arith.constant 528 : index
    %swap3A_564 = arith.constant 0 : index
    %swap3A_565 = vector.load %arg2[%swap3A_561, %swap3A_562, %swap3A_563, %swap3A_564] : memref<1x4x576x576xf32, #tpu.memory_space<vmem>>, vector<1x1x24x576xf32>
    %swap3A_566 = vector.shape_cast %swap3A_565 : vector<1x1x24x576xf32> to vector<24x576xf32>
    %swap3A_567 = vector.shape_cast %slice3A_560 : vector<24x576xf32> to vector<1x1x24x576xf32>
    tpu.vector_store %arg2[%swap3A_561, %swap3A_562, %swap3A_563, %swap3A_564], %swap3A_567 {strides = array<i32>} : memref<1x4x576x576xf32, #tpu.memory_space<vmem>>, vector<1x1x24x576xf32>,
    %slice3A_568 = vector.extract_strided_slice %reshape3A {offsets = [48, 0], sizes = [24, 576], strides = [1, 1]} : vector<96x1152xf32> to vector<24x576xf32>
    %swap3A_569 = arith.constant 0 : index
    %swap3A_570 = arith.constant 2 : index
    %swap3A_571 = arith.constant 552 : index
    %swap3A_572 = arith.constant 0 : index
    %swap3A_573 = vector.load %arg2[%swap3A_569, %swap3A_570, %swap3A_571, %swap3A_572] : memref<1x4x576x576xf32, #tpu.memory_space<vmem>>, vector<1x1x24x576xf32>
    %swap3A_574 = vector.shape_cast %swap3A_573 : vector<1x1x24x576xf32> to vector<24x576xf32>
    %swap3A_575 = vector.shape_cast %slice3A_568 : vector<24x576xf32> to vector<1x1x24x576xf32>
    tpu.vector_store %arg2[%swap3A_569, %swap3A_570, %swap3A_571, %swap3A_572], %swap3A_575 {strides = array<i32>} : memref<1x4x576x576xf32, #tpu.memory_space<vmem>>, vector<1x1x24x576xf32>,
    %slice3A_576 = vector.extract_strided_slice %reshape3A {offsets = [72, 552], sizes = [24, 576], strides = [1, 1]} : vector<96x1152xf32> to vector<24x576xf32>
    %swap3A_577 = arith.constant 0 : index
    %swap3A_578 = arith.constant 3 : index
    %swap3A_579 = arith.constant 0 : index
    %swap3A_580 = arith.constant 0 : index
    %swap3A_581 = vector.load %arg2[%swap3A_577, %swap3A_578, %swap3A_579, %swap3A_580] : memref<1x4x576x576xf32, #tpu.memory_space<vmem>>, vector<1x1x24x576xf32>
    %swap3A_582 = vector.shape_cast %swap3A_581 : vector<1x1x24x576xf32> to vector<24x576xf32>
    %swap3A_583 = vector.shape_cast %slice3A_576 : vector<24x576xf32> to vector<1x1x24x576xf32>
    tpu.vector_store %arg2[%swap3A_577, %swap3A_578, %swap3A_579, %swap3A_580], %swap3A_583 {strides = array<i32>} : memref<1x4x576x576xf32, #tpu.memory_space<vmem>>, vector<1x1x24x576xf32>,
    %slice3A_584 = vector.extract_strided_slice %reshape3A {offsets = [72, 528], sizes = [24, 576], strides = [1, 1]} : vector<96x1152xf32> to vector<24x576xf32>
    %swap3A_585 = arith.constant 0 : index
    %swap3A_586 = arith.constant 3 : index
    %swap3A_587 = arith.constant 24 : index
    %swap3A_588 = arith.constant 0 : index
    %swap3A_589 = vector.load %arg2[%swap3A_585, %swap3A_586, %swap3A_587, %swap3A_588] : memref<1x4x576x576xf32, #tpu.memory_space<vmem>>, vector<1x1x24x576xf32>
    %swap3A_590 = vector.shape_cast %swap3A_589 : vector<1x1x24x576xf32> to vector<24x576xf32>
    %swap3A_591 = vector.shape_cast %slice3A_584 : vector<24x576xf32> to vector<1x1x24x576xf32>
    tpu.vector_store %arg2[%swap3A_585, %swap3A_586, %swap3A_587, %swap3A_588], %swap3A_591 {strides = array<i32>} : memref<1x4x576x576xf32, #tpu.memory_space<vmem>>, vector<1x1x24x576xf32>,
    %slice3A_592 = vector.extract_strided_slice %reshape3A {offsets = [72, 504], sizes = [24, 576], strides = [1, 1]} : vector<96x1152xf32> to vector<24x576xf32>
    %swap3A_593 = arith.constant 0 : index
    %swap3A_594 = arith.constant 3 : index
    %swap3A_595 = arith.constant 48 : index
    %swap3A_596 = arith.constant 0 : index
    %swap3A_597 = vector.load %arg2[%swap3A_593, %swap3A_594, %swap3A_595, %swap3A_596] : memref<1x4x576x576xf32, #tpu.memory_space<vmem>>, vector<1x1x24x576xf32>
    %swap3A_598 = vector.shape_cast %swap3A_597 : vector<1x1x24x576xf32> to vector<24x576xf32>
    %swap3A_599 = vector.shape_cast %slice3A_592 : vector<24x576xf32> to vector<1x1x24x576xf32>
    tpu.vector_store %arg2[%swap3A_593, %swap3A_594, %swap3A_595, %swap3A_596], %swap3A_599 {strides = array<i32>} : memref<1x4x576x576xf32, #tpu.memory_space<vmem>>, vector<1x1x24x576xf32>,
    %slice3A_600 = vector.extract_strided_slice %reshape3A {offsets = [72, 480], sizes = [24, 576], strides = [1, 1]} : vector<96x1152xf32> to vector<24x576xf32>
    %swap3A_601 = arith.constant 0 : index
    %swap3A_602 = arith.constant 3 : index
    %swap3A_603 = arith.constant 72 : index
    %swap3A_604 = arith.constant 0 : index
    %swap3A_605 = vector.load %arg2[%swap3A_601, %swap3A_602, %swap3A_603, %swap3A_604] : memref<1x4x576x576xf32, #tpu.memory_space<vmem>>, vector<1x1x24x576xf32>
    %swap3A_606 = vector.shape_cast %swap3A_605 : vector<1x1x24x576xf32> to vector<24x576xf32>
    %swap3A_607 = vector.shape_cast %slice3A_600 : vector<24x576xf32> to vector<1x1x24x576xf32>
    tpu.vector_store %arg2[%swap3A_601, %swap3A_602, %swap3A_603, %swap3A_604], %swap3A_607 {strides = array<i32>} : memref<1x4x576x576xf32, #tpu.memory_space<vmem>>, vector<1x1x24x576xf32>,
    %slice3A_608 = vector.extract_strided_slice %reshape3A {offsets = [72, 456], sizes = [24, 576], strides = [1, 1]} : vector<96x1152xf32> to vector<24x576xf32>
    %swap3A_609 = arith.constant 0 : index
    %swap3A_610 = arith.constant 3 : index
    %swap3A_611 = arith.constant 96 : index
    %swap3A_612 = arith.constant 0 : index
    %swap3A_613 = vector.load %arg2[%swap3A_609, %swap3A_610, %swap3A_611, %swap3A_612] : memref<1x4x576x576xf32, #tpu.memory_space<vmem>>, vector<1x1x24x576xf32>
    %swap3A_614 = vector.shape_cast %swap3A_613 : vector<1x1x24x576xf32> to vector<24x576xf32>
    %swap3A_615 = vector.shape_cast %slice3A_608 : vector<24x576xf32> to vector<1x1x24x576xf32>
    tpu.vector_store %arg2[%swap3A_609, %swap3A_610, %swap3A_611, %swap3A_612], %swap3A_615 {strides = array<i32>} : memref<1x4x576x576xf32, #tpu.memory_space<vmem>>, vector<1x1x24x576xf32>,
    %slice3A_616 = vector.extract_strided_slice %reshape3A {offsets = [72, 432], sizes = [24, 576], strides = [1, 1]} : vector<96x1152xf32> to vector<24x576xf32>
    %swap3A_617 = arith.constant 0 : index
    %swap3A_618 = arith.constant 3 : index
    %swap3A_619 = arith.constant 120 : index
    %swap3A_620 = arith.constant 0 : index
    %swap3A_621 = vector.load %arg2[%swap3A_617, %swap3A_618, %swap3A_619, %swap3A_620] : memref<1x4x576x576xf32, #tpu.memory_space<vmem>>, vector<1x1x24x576xf32>
    %swap3A_622 = vector.shape_cast %swap3A_621 : vector<1x1x24x576xf32> to vector<24x576xf32>
    %swap3A_623 = vector.shape_cast %slice3A_616 : vector<24x576xf32> to vector<1x1x24x576xf32>
    tpu.vector_store %arg2[%swap3A_617, %swap3A_618, %swap3A_619, %swap3A_620], %swap3A_623 {strides = array<i32>} : memref<1x4x576x576xf32, #tpu.memory_space<vmem>>, vector<1x1x24x576xf32>,
    %slice3A_624 = vector.extract_strided_slice %reshape3A {offsets = [72, 408], sizes = [24, 576], strides = [1, 1]} : vector<96x1152xf32> to vector<24x576xf32>
    %swap3A_625 = arith.constant 0 : index
    %swap3A_626 = arith.constant 3 : index
    %swap3A_627 = arith.constant 144 : index
    %swap3A_628 = arith.constant 0 : index
    %swap3A_629 = vector.load %arg2[%swap3A_625, %swap3A_626, %swap3A_627, %swap3A_628] : memref<1x4x576x576xf32, #tpu.memory_space<vmem>>, vector<1x1x24x576xf32>
    %swap3A_630 = vector.shape_cast %swap3A_629 : vector<1x1x24x576xf32> to vector<24x576xf32>
    %swap3A_631 = vector.shape_cast %slice3A_624 : vector<24x576xf32> to vector<1x1x24x576xf32>
    tpu.vector_store %arg2[%swap3A_625, %swap3A_626, %swap3A_627, %swap3A_628], %swap3A_631 {strides = array<i32>} : memref<1x4x576x576xf32, #tpu.memory_space<vmem>>, vector<1x1x24x576xf32>,
    %slice3A_632 = vector.extract_strided_slice %reshape3A {offsets = [72, 384], sizes = [24, 576], strides = [1, 1]} : vector<96x1152xf32> to vector<24x576xf32>
    %swap3A_633 = arith.constant 0 : index
    %swap3A_634 = arith.constant 3 : index
    %swap3A_635 = arith.constant 168 : index
    %swap3A_636 = arith.constant 0 : index
    %swap3A_637 = vector.load %arg2[%swap3A_633, %swap3A_634, %swap3A_635, %swap3A_636] : memref<1x4x576x576xf32, #tpu.memory_space<vmem>>, vector<1x1x24x576xf32>
    %swap3A_638 = vector.shape_cast %swap3A_637 : vector<1x1x24x576xf32> to vector<24x576xf32>
    %swap3A_639 = vector.shape_cast %slice3A_632 : vector<24x576xf32> to vector<1x1x24x576xf32>
    tpu.vector_store %arg2[%swap3A_633, %swap3A_634, %swap3A_635, %swap3A_636], %swap3A_639 {strides = array<i32>} : memref<1x4x576x576xf32, #tpu.memory_space<vmem>>, vector<1x1x24x576xf32>,
    %slice3A_640 = vector.extract_strided_slice %reshape3A {offsets = [72, 360], sizes = [24, 576], strides = [1, 1]} : vector<96x1152xf32> to vector<24x576xf32>
    %swap3A_641 = arith.constant 0 : index
    %swap3A_642 = arith.constant 3 : index
    %swap3A_643 = arith.constant 192 : index
    %swap3A_644 = arith.constant 0 : index
    %swap3A_645 = vector.load %arg2[%swap3A_641, %swap3A_642, %swap3A_643, %swap3A_644] : memref<1x4x576x576xf32, #tpu.memory_space<vmem>>, vector<1x1x24x576xf32>
    %swap3A_646 = vector.shape_cast %swap3A_645 : vector<1x1x24x576xf32> to vector<24x576xf32>
    %swap3A_647 = vector.shape_cast %slice3A_640 : vector<24x576xf32> to vector<1x1x24x576xf32>
    tpu.vector_store %arg2[%swap3A_641, %swap3A_642, %swap3A_643, %swap3A_644], %swap3A_647 {strides = array<i32>} : memref<1x4x576x576xf32, #tpu.memory_space<vmem>>, vector<1x1x24x576xf32>,
    %slice3A_648 = vector.extract_strided_slice %reshape3A {offsets = [72, 336], sizes = [24, 576], strides = [1, 1]} : vector<96x1152xf32> to vector<24x576xf32>
    %swap3A_649 = arith.constant 0 : index
    %swap3A_650 = arith.constant 3 : index
    %swap3A_651 = arith.constant 216 : index
    %swap3A_652 = arith.constant 0 : index
    %swap3A_653 = vector.load %arg2[%swap3A_649, %swap3A_650, %swap3A_651, %swap3A_652] : memref<1x4x576x576xf32, #tpu.memory_space<vmem>>, vector<1x1x24x576xf32>
    %swap3A_654 = vector.shape_cast %swap3A_653 : vector<1x1x24x576xf32> to vector<24x576xf32>
    %swap3A_655 = vector.shape_cast %slice3A_648 : vector<24x576xf32> to vector<1x1x24x576xf32>
    tpu.vector_store %arg2[%swap3A_649, %swap3A_650, %swap3A_651, %swap3A_652], %swap3A_655 {strides = array<i32>} : memref<1x4x576x576xf32, #tpu.memory_space<vmem>>, vector<1x1x24x576xf32>,
    %slice3A_656 = vector.extract_strided_slice %reshape3A {offsets = [72, 312], sizes = [24, 576], strides = [1, 1]} : vector<96x1152xf32> to vector<24x576xf32>
    %swap3A_657 = arith.constant 0 : index
    %swap3A_658 = arith.constant 3 : index
    %swap3A_659 = arith.constant 240 : index
    %swap3A_660 = arith.constant 0 : index
    %swap3A_661 = vector.load %arg2[%swap3A_657, %swap3A_658, %swap3A_659, %swap3A_660] : memref<1x4x576x576xf32, #tpu.memory_space<vmem>>, vector<1x1x24x576xf32>
    %swap3A_662 = vector.shape_cast %swap3A_661 : vector<1x1x24x576xf32> to vector<24x576xf32>
    %swap3A_663 = vector.shape_cast %slice3A_656 : vector<24x576xf32> to vector<1x1x24x576xf32>
    tpu.vector_store %arg2[%swap3A_657, %swap3A_658, %swap3A_659, %swap3A_660], %swap3A_663 {strides = array<i32>} : memref<1x4x576x576xf32, #tpu.memory_space<vmem>>, vector<1x1x24x576xf32>,
    %slice3A_664 = vector.extract_strided_slice %reshape3A {offsets = [72, 288], sizes = [24, 576], strides = [1, 1]} : vector<96x1152xf32> to vector<24x576xf32>
    %swap3A_665 = arith.constant 0 : index
    %swap3A_666 = arith.constant 3 : index
    %swap3A_667 = arith.constant 264 : index
    %swap3A_668 = arith.constant 0 : index
    %swap3A_669 = vector.load %arg2[%swap3A_665, %swap3A_666, %swap3A_667, %swap3A_668] : memref<1x4x576x576xf32, #tpu.memory_space<vmem>>, vector<1x1x24x576xf32>
    %swap3A_670 = vector.shape_cast %swap3A_669 : vector<1x1x24x576xf32> to vector<24x576xf32>
    %swap3A_671 = vector.shape_cast %slice3A_664 : vector<24x576xf32> to vector<1x1x24x576xf32>
    tpu.vector_store %arg2[%swap3A_665, %swap3A_666, %swap3A_667, %swap3A_668], %swap3A_671 {strides = array<i32>} : memref<1x4x576x576xf32, #tpu.memory_space<vmem>>, vector<1x1x24x576xf32>,
    %slice3A_672 = vector.extract_strided_slice %reshape3A {offsets = [72, 264], sizes = [24, 576], strides = [1, 1]} : vector<96x1152xf32> to vector<24x576xf32>
    %swap3A_673 = arith.constant 0 : index
    %swap3A_674 = arith.constant 3 : index
    %swap3A_675 = arith.constant 288 : index
    %swap3A_676 = arith.constant 0 : index
    %swap3A_677 = vector.load %arg2[%swap3A_673, %swap3A_674, %swap3A_675, %swap3A_676] : memref<1x4x576x576xf32, #tpu.memory_space<vmem>>, vector<1x1x24x576xf32>
    %swap3A_678 = vector.shape_cast %swap3A_677 : vector<1x1x24x576xf32> to vector<24x576xf32>
    %swap3A_679 = vector.shape_cast %slice3A_672 : vector<24x576xf32> to vector<1x1x24x576xf32>
    tpu.vector_store %arg2[%swap3A_673, %swap3A_674, %swap3A_675, %swap3A_676], %swap3A_679 {strides = array<i32>} : memref<1x4x576x576xf32, #tpu.memory_space<vmem>>, vector<1x1x24x576xf32>,
    %slice3A_680 = vector.extract_strided_slice %reshape3A {offsets = [72, 240], sizes = [24, 576], strides = [1, 1]} : vector<96x1152xf32> to vector<24x576xf32>
    %swap3A_681 = arith.constant 0 : index
    %swap3A_682 = arith.constant 3 : index
    %swap3A_683 = arith.constant 312 : index
    %swap3A_684 = arith.constant 0 : index
    %swap3A_685 = vector.load %arg2[%swap3A_681, %swap3A_682, %swap3A_683, %swap3A_684] : memref<1x4x576x576xf32, #tpu.memory_space<vmem>>, vector<1x1x24x576xf32>
    %swap3A_686 = vector.shape_cast %swap3A_685 : vector<1x1x24x576xf32> to vector<24x576xf32>
    %swap3A_687 = vector.shape_cast %slice3A_680 : vector<24x576xf32> to vector<1x1x24x576xf32>
    tpu.vector_store %arg2[%swap3A_681, %swap3A_682, %swap3A_683, %swap3A_684], %swap3A_687 {strides = array<i32>} : memref<1x4x576x576xf32, #tpu.memory_space<vmem>>, vector<1x1x24x576xf32>,
    %slice3A_688 = vector.extract_strided_slice %reshape3A {offsets = [72, 216], sizes = [24, 576], strides = [1, 1]} : vector<96x1152xf32> to vector<24x576xf32>
    %swap3A_689 = arith.constant 0 : index
    %swap3A_690 = arith.constant 3 : index
    %swap3A_691 = arith.constant 336 : index
    %swap3A_692 = arith.constant 0 : index
    %swap3A_693 = vector.load %arg2[%swap3A_689, %swap3A_690, %swap3A_691, %swap3A_692] : memref<1x4x576x576xf32, #tpu.memory_space<vmem>>, vector<1x1x24x576xf32>
    %swap3A_694 = vector.shape_cast %swap3A_693 : vector<1x1x24x576xf32> to vector<24x576xf32>
    %swap3A_695 = vector.shape_cast %slice3A_688 : vector<24x576xf32> to vector<1x1x24x576xf32>
    tpu.vector_store %arg2[%swap3A_689, %swap3A_690, %swap3A_691, %swap3A_692], %swap3A_695 {strides = array<i32>} : memref<1x4x576x576xf32, #tpu.memory_space<vmem>>, vector<1x1x24x576xf32>,
    %slice3A_696 = vector.extract_strided_slice %reshape3A {offsets = [72, 192], sizes = [24, 576], strides = [1, 1]} : vector<96x1152xf32> to vector<24x576xf32>
    %swap3A_697 = arith.constant 0 : index
    %swap3A_698 = arith.constant 3 : index
    %swap3A_699 = arith.constant 360 : index
    %swap3A_700 = arith.constant 0 : index
    %swap3A_701 = vector.load %arg2[%swap3A_697, %swap3A_698, %swap3A_699, %swap3A_700] : memref<1x4x576x576xf32, #tpu.memory_space<vmem>>, vector<1x1x24x576xf32>
    %swap3A_702 = vector.shape_cast %swap3A_701 : vector<1x1x24x576xf32> to vector<24x576xf32>
    %swap3A_703 = vector.shape_cast %slice3A_696 : vector<24x576xf32> to vector<1x1x24x576xf32>
    tpu.vector_store %arg2[%swap3A_697, %swap3A_698, %swap3A_699, %swap3A_700], %swap3A_703 {strides = array<i32>} : memref<1x4x576x576xf32, #tpu.memory_space<vmem>>, vector<1x1x24x576xf32>,
    %slice3A_704 = vector.extract_strided_slice %reshape3A {offsets = [72, 168], sizes = [24, 576], strides = [1, 1]} : vector<96x1152xf32> to vector<24x576xf32>
    %swap3A_705 = arith.constant 0 : index
    %swap3A_706 = arith.constant 3 : index
    %swap3A_707 = arith.constant 384 : index
    %swap3A_708 = arith.constant 0 : index
    %swap3A_709 = vector.load %arg2[%swap3A_705, %swap3A_706, %swap3A_707, %swap3A_708] : memref<1x4x576x576xf32, #tpu.memory_space<vmem>>, vector<1x1x24x576xf32>
    %swap3A_710 = vector.shape_cast %swap3A_709 : vector<1x1x24x576xf32> to vector<24x576xf32>
    %swap3A_711 = vector.shape_cast %slice3A_704 : vector<24x576xf32> to vector<1x1x24x576xf32>
    tpu.vector_store %arg2[%swap3A_705, %swap3A_706, %swap3A_707, %swap3A_708], %swap3A_711 {strides = array<i32>} : memref<1x4x576x576xf32, #tpu.memory_space<vmem>>, vector<1x1x24x576xf32>,
    %slice3A_712 = vector.extract_strided_slice %reshape3A {offsets = [72, 144], sizes = [24, 576], strides = [1, 1]} : vector<96x1152xf32> to vector<24x576xf32>
    %swap3A_713 = arith.constant 0 : index
    %swap3A_714 = arith.constant 3 : index
    %swap3A_715 = arith.constant 408 : index
    %swap3A_716 = arith.constant 0 : index
    %swap3A_717 = vector.load %arg2[%swap3A_713, %swap3A_714, %swap3A_715, %swap3A_716] : memref<1x4x576x576xf32, #tpu.memory_space<vmem>>, vector<1x1x24x576xf32>
    %swap3A_718 = vector.shape_cast %swap3A_717 : vector<1x1x24x576xf32> to vector<24x576xf32>
    %swap3A_719 = vector.shape_cast %slice3A_712 : vector<24x576xf32> to vector<1x1x24x576xf32>
    tpu.vector_store %arg2[%swap3A_713, %swap3A_714, %swap3A_715, %swap3A_716], %swap3A_719 {strides = array<i32>} : memref<1x4x576x576xf32, #tpu.memory_space<vmem>>, vector<1x1x24x576xf32>,
    %slice3A_720 = vector.extract_strided_slice %reshape3A {offsets = [72, 120], sizes = [24, 576], strides = [1, 1]} : vector<96x1152xf32> to vector<24x576xf32>
    %swap3A_721 = arith.constant 0 : index
    %swap3A_722 = arith.constant 3 : index
    %swap3A_723 = arith.constant 432 : index
    %swap3A_724 = arith.constant 0 : index
    %swap3A_725 = vector.load %arg2[%swap3A_721, %swap3A_722, %swap3A_723, %swap3A_724] : memref<1x4x576x576xf32, #tpu.memory_space<vmem>>, vector<1x1x24x576xf32>
    %swap3A_726 = vector.shape_cast %swap3A_725 : vector<1x1x24x576xf32> to vector<24x576xf32>
    %swap3A_727 = vector.shape_cast %slice3A_720 : vector<24x576xf32> to vector<1x1x24x576xf32>
    tpu.vector_store %arg2[%swap3A_721, %swap3A_722, %swap3A_723, %swap3A_724], %swap3A_727 {strides = array<i32>} : memref<1x4x576x576xf32, #tpu.memory_space<vmem>>, vector<1x1x24x576xf32>,
    %slice3A_728 = vector.extract_strided_slice %reshape3A {offsets = [72, 96], sizes = [24, 576], strides = [1, 1]} : vector<96x1152xf32> to vector<24x576xf32>
    %swap3A_729 = arith.constant 0 : index
    %swap3A_730 = arith.constant 3 : index
    %swap3A_731 = arith.constant 456 : index
    %swap3A_732 = arith.constant 0 : index
    %swap3A_733 = vector.load %arg2[%swap3A_729, %swap3A_730, %swap3A_731, %swap3A_732] : memref<1x4x576x576xf32, #tpu.memory_space<vmem>>, vector<1x1x24x576xf32>
    %swap3A_734 = vector.shape_cast %swap3A_733 : vector<1x1x24x576xf32> to vector<24x576xf32>
    %swap3A_735 = vector.shape_cast %slice3A_728 : vector<24x576xf32> to vector<1x1x24x576xf32>
    tpu.vector_store %arg2[%swap3A_729, %swap3A_730, %swap3A_731, %swap3A_732], %swap3A_735 {strides = array<i32>} : memref<1x4x576x576xf32, #tpu.memory_space<vmem>>, vector<1x1x24x576xf32>,
    %slice3A_736 = vector.extract_strided_slice %reshape3A {offsets = [72, 72], sizes = [24, 576], strides = [1, 1]} : vector<96x1152xf32> to vector<24x576xf32>
    %swap3A_737 = arith.constant 0 : index
    %swap3A_738 = arith.constant 3 : index
    %swap3A_739 = arith.constant 480 : index
    %swap3A_740 = arith.constant 0 : index
    %swap3A_741 = vector.load %arg2[%swap3A_737, %swap3A_738, %swap3A_739, %swap3A_740] : memref<1x4x576x576xf32, #tpu.memory_space<vmem>>, vector<1x1x24x576xf32>
    %swap3A_742 = vector.shape_cast %swap3A_741 : vector<1x1x24x576xf32> to vector<24x576xf32>
    %swap3A_743 = vector.shape_cast %slice3A_736 : vector<24x576xf32> to vector<1x1x24x576xf32>
    tpu.vector_store %arg2[%swap3A_737, %swap3A_738, %swap3A_739, %swap3A_740], %swap3A_743 {strides = array<i32>} : memref<1x4x576x576xf32, #tpu.memory_space<vmem>>, vector<1x1x24x576xf32>,
    %slice3A_744 = vector.extract_strided_slice %reshape3A {offsets = [72, 48], sizes = [24, 576], strides = [1, 1]} : vector<96x1152xf32> to vector<24x576xf32>
    %swap3A_745 = arith.constant 0 : index
    %swap3A_746 = arith.constant 3 : index
    %swap3A_747 = arith.constant 504 : index
    %swap3A_748 = arith.constant 0 : index
    %swap3A_749 = vector.load %arg2[%swap3A_745, %swap3A_746, %swap3A_747, %swap3A_748] : memref<1x4x576x576xf32, #tpu.memory_space<vmem>>, vector<1x1x24x576xf32>
    %swap3A_750 = vector.shape_cast %swap3A_749 : vector<1x1x24x576xf32> to vector<24x576xf32>
    %swap3A_751 = vector.shape_cast %slice3A_744 : vector<24x576xf32> to vector<1x1x24x576xf32>
    tpu.vector_store %arg2[%swap3A_745, %swap3A_746, %swap3A_747, %swap3A_748], %swap3A_751 {strides = array<i32>} : memref<1x4x576x576xf32, #tpu.memory_space<vmem>>, vector<1x1x24x576xf32>,
    %slice3A_752 = vector.extract_strided_slice %reshape3A {offsets = [72, 24], sizes = [24, 576], strides = [1, 1]} : vector<96x1152xf32> to vector<24x576xf32>
    %swap3A_753 = arith.constant 0 : index
    %swap3A_754 = arith.constant 3 : index
    %swap3A_755 = arith.constant 528 : index
    %swap3A_756 = arith.constant 0 : index
    %swap3A_757 = vector.load %arg2[%swap3A_753, %swap3A_754, %swap3A_755, %swap3A_756] : memref<1x4x576x576xf32, #tpu.memory_space<vmem>>, vector<1x1x24x576xf32>
    %swap3A_758 = vector.shape_cast %swap3A_757 : vector<1x1x24x576xf32> to vector<24x576xf32>
    %swap3A_759 = vector.shape_cast %slice3A_752 : vector<24x576xf32> to vector<1x1x24x576xf32>
    tpu.vector_store %arg2[%swap3A_753, %swap3A_754, %swap3A_755, %swap3A_756], %swap3A_759 {strides = array<i32>} : memref<1x4x576x576xf32, #tpu.memory_space<vmem>>, vector<1x1x24x576xf32>,
    %slice3A_760 = vector.extract_strided_slice %reshape3A {offsets = [72, 0], sizes = [24, 576], strides = [1, 1]} : vector<96x1152xf32> to vector<24x576xf32>
    %swap3A_761 = arith.constant 0 : index
    %swap3A_762 = arith.constant 3 : index
    %swap3A_763 = arith.constant 552 : index
    %swap3A_764 = arith.constant 0 : index
    %swap3A_765 = vector.load %arg2[%swap3A_761, %swap3A_762, %swap3A_763, %swap3A_764] : memref<1x4x576x576xf32, #tpu.memory_space<vmem>>, vector<1x1x24x576xf32>
    %swap3A_766 = vector.shape_cast %swap3A_765 : vector<1x1x24x576xf32> to vector<24x576xf32>
    %swap3A_767 = vector.shape_cast %slice3A_760 : vector<24x576xf32> to vector<1x1x24x576xf32>
    tpu.vector_store %arg2[%swap3A_761, %swap3A_762, %swap3A_763, %swap3A_764], %swap3A_767 {strides = array<i32>} : memref<1x4x576x576xf32, #tpu.memory_space<vmem>>, vector<1x1x24x576xf32>,
    return
  }
  func.func @transform_0(%arg0: i32) -> (i32, i32) {
    %c0_i32 = arith.constant 0 : i32
    %c0_i32_0 = arith.constant 0 : i32
    return %arg0, %c0_i32 : i32, i32
  }
  func.func @transform_1(%arg0: i32) -> (i32, i32, i32, i32) {
    %c0_i32 = arith.constant 0 : i32
    %c0_i32_0 = arith.constant 0 : i32
    %c0_i32_1 = arith.constant 0 : i32
    %c0_i32_2 = arith.constant 0 : i32
    return %c0_i32, %arg0, %c0_i32_0, %c0_i32_1 : i32, i32, i32, i32
  }
}

</mosaic_0001>

<sc_bundles>
// kernel: kernel.4.cloned.1.call-start
scs
__scs_entry_jumppad:
0x0: {  	(pc) =	sbr.rel $0x88, $3  }
0x1: {  	(tag) =	ssettag $0x0;
	lr =	simm.s32 $0x1  }
0x2: {  	[smem:$0x3FA0] =	sst lr;
	_ =	strace $0xD0000000  }
0x3: {  	_ = 	snop  }
0x4: {  	_ = 	snop  }
0x5: {  	_ = 	snop  }
0x6: {  	_ = 	snop  }
0x7: {  	_ = 	snop  }
__scs_overlays_trampoline_lowered:
0x8: {  	[smem:$0x3FAF] =	sst s0  }
0x9: {  	[smem:$0x3FB0] =	sst s1  }
0xa: {  	[smem:$0x3FB1] =	sst s2  }
0xb: {  	[smem:$0x3FB2] =	sst s3  }
0xc: {  	[smem:$0x3FB3] =	sst s4  }
0xd: {  	[smem:$0x3FB4] =	sst s5  }
0xe: {  	[smem:$0x3FB5] =	sst s6  }
0xf: {  	[smem:$0x3FB6] =	sst s7  }
0x10: {  	[smem:$0x3FB7] =	sst s8  }
0x11: {  	[smem:$0x3FB8] =	sst s9;
	s0 =	simm.s32 @!p0 $0x0  }
0x12: {  	s1 =	sld [smem:$0x3F9E];
	s0 =	simm.s32 @p0 $0x1  }
0x13: {  	[smem:$0x3FB9] =	sst s0;
	s0 =	simm.s32 @!p1 $0x0  }
0x14: {  	s2 =	sld [smem:$0x3F9D];
	s0 =	simm.s32 @p1 $0x1  }
0x15: {  	[smem:$0x3FBA] =	sst s0;
	s0 =	simm.s32 @!p2 $0x0  }
0x16: {  	s3 =	sld [smem:$0x3FDB];
	s0 =	simm.s32 @p2 $0x1  }
0x17: {  	s4 =	simm.s32 $0x1BF5;
	[smem:$0x3FBC] =	sst s0  }
0x18: {  	s0 =	sld [smem:$0x3F9F];
	_ =	swait.ge [sflag:s4], $0x0  }
0x19: {  	s7 =	sld [smem:$0x3FA0]  }
0x1a: {  	s8 =	sadd.s32 $0xFFFFE003, lr  }
0x1b: {  	s9 =	sadd.s32 $0xFFFFFEF7, lr;
	s5 =	simm.s32 $0xFFFFFFFF;
	p2 =	slt.u32 s8, $0xFFFFF086  }
0x1c: {  	p1 =	slt.u32 s9, $0xF7A;
	s5 =	simm.s32 @!p2 $0x0  }
0x1d: {  	s5 =	simm.s32 @p1 $0x1;
	p0 =	seq.s32 s7, s2  }
0x1e: {  	s7 =	smul.u32 @!p0 $0xF7A, s2;
	p2 =	seq.s32 @!p0 s5, $0x0  }
0x1f: {  	s9 =	smul.u32 $0xF7A, s1;
	s8 =	simm.s32 @!p0 $0x1BF5;
	p2 =	por !p2, p0  }
0x20: {  	[sflag:s8] =	ssyncset.s32 @!p0 $0xFFFFF086;
	s6 =	sadd.s32 @!p0 s3, s7;
	s7 =	simm.s32 @!p0 $0x108  }
0x21: {  	s3 =	sadd.s32 s3, s9;
	s6 =	sadd.s32 @!p0 $0x88, s6;
	s7 =	simm.s32 @p2 $0x1082  }
0x22: {  	[simem:s7], [sflag:s8] =	dma.local @!p0 [hbm:s6], $0xF7A  }
0x23: {  	s9 =	sor.u32 $0xD0000000, s2;
	s6 =	simm.s32 $0x108;
	_ =	swait.ge @!p0 [sflag:s8], $0x0  }
0x24: {  	s3 =	sadd.s32 $0x88, s3;
	s6 =	simm.s32 @!p1 $0x1082;
	[sflag:s4] =	ssyncset.s32 $0xFFFFF086  }
0x25: {  	[simem:s6], [sflag:s4] =	dma.local [hbm:s3], $0xF7A  }
0x26: {  	[smem:$0x3FA0] =	sst s1;
	(tag) =	ssettag s2;
	_ =	strace s9  }
0x27: {  	s1 =	sld [smem:$0x3FB0]  }
0x28: {  	s2 =	sld [smem:$0x3FB1]  }
0x29: {  	s4 =	sld [smem:$0x3FB3]  }
0x2a: {  	p0 =	seq.s32 s5, $0x0;
	s5 =	sld [smem:$0x3FB4]  }
0x2b: {  	s6 =	sld [smem:$0x3FB5]  }
0x2c: {  	s7 =	sld [smem:$0x3FB6]  }
0x2d: {  	s3 =	simm.s32 $0x108;
	s8 =	sld [smem:$0x3FB7]  }
0x2e: {  	s3 =	simm.s32 @!p0 $0x1082;
	s9 =	sld [smem:$0x3FB8]  }
0x2f: {  	lr =	sadd.s32 s0, s3;
	s0 =	sld [smem:$0x3FAF]  }
0x30: {  	s3 =	sld [smem:$0x3FB2]  }
0x31: {  	[smem:$0x3FBB] =	sst s10  }
0x32: {  	s10 =	sld [smem:$0x3FB9];
	_ =	sdelay $0x3  }
0x33: {  	p0 =	seq.s32 s10, $0x1;
	s10 =	sld [smem:$0x3FBB];
	_ =	sdelay $0x3  }
0x34: {  	[smem:$0x3FBB] =	sst s10  }
0x35: {  	s10 =	sld [smem:$0x3FBA];
	_ =	sdelay $0x3  }
0x36: {  	p1 =	seq.s32 s10, $0x1;
	s10 =	sld [smem:$0x3FBB];
	_ =	sdelay $0x3  }
0x37: {  	[smem:$0x3FBB] =	sst s10  }
0x38: {  	s10 =	sld [smem:$0x3FBC]  }
0x39: {  	_ = 	snop;
	(pc) =	sbr.ind lr, $3  }
0x3a: {  	_ = 	snop  }
0x3b: {  	_ = 	snop  }
0x3c: {  	p2 =	seq.s32 s10, $0x1;
	s10 =	sld [smem:$0x3FBB]  }
0x3d: {  	_ =	shalt  }
0x3e: {  	_ =	shalt  }
0x3f: {  	_ =	shalt  }
0x40: {  	_ =	shalt  }
0x41: {  	_ =	shalt  }
0x42: {  	_ =	shalt  }
0x43: {  	_ =	shalt  }
0x44: {  	_ =	shalt  }
0x45: {  	_ =	shalt  }
0x46: {  	_ =	shalt  }
0x47: {  	_ =	shalt  }
0x48: {  	_ =	shalt  }
0x49: {  	_ =	shalt  }
0x4a: {  	_ =	shalt  }
0x4b: {  	_ =	shalt  }
0x4c: {  	_ =	shalt  }
0x4d: {  	_ =	shalt  }
0x4e: {  	_ =	shalt  }
0x4f: {  	_ =	shalt  }
0x50: {  	_ =	shalt  }
0x51: {  	_ =	shalt  }
0x52: {  	_ =	shalt  }
0x53: {  	_ =	shalt  }
0x54: {  	_ =	shalt  }
0x55: {  	_ =	shalt  }
0x56: {  	_ =	shalt  }
0x57: {  	_ =	shalt  }
0x58: {  	_ =	shalt  }
0x59: {  	_ =	shalt  }
0x5a: {  	_ =	shalt  }
0x5b: {  	_ =	shalt  }
0x5c: {  	_ =	shalt  }
0x5d: {  	_ =	shalt  }
0x5e: {  	_ =	shalt  }
0x5f: {  	_ =	shalt  }
0x60: {  	_ =	shalt  }
0x61: {  	_ =	shalt  }
0x62: {  	_ =	shalt  }
0x63: {  	_ =	shalt  }
0x64: {  	_ =	shalt  }
0x65: {  	_ =	shalt  }
0x66: {  	_ =	shalt  }
0x67: {  	_ =	shalt  }
0x68: {  	_ =	shalt  }
0x69: {  	_ =	shalt  }
0x6a: {  	_ =	shalt  }
0x6b: {  	_ =	shalt  }
0x6c: {  	_ =	shalt  }
0x6d: {  	_ =	shalt  }
0x6e: {  	_ =	shalt  }
0x6f: {  	_ =	shalt  }
0x70: {  	_ =	shalt  }
0x71: {  	_ =	shalt  }
0x72: {  	_ =	shalt  }
0x73: {  	_ =	shalt  }
0x74: {  	_ =	shalt  }
0x75: {  	_ =	shalt  }
0x76: {  	_ =	shalt  }
0x77: {  	_ =	shalt  }
0x78: {  	_ =	shalt  }
0x79: {  	_ =	shalt  }
0x7a: {  	_ =	shalt  }
0x7b: {  	_ =	shalt  }
0x7c: {  	_ =	shalt  }
0x7d: {  	_ =	shalt  }
0x7e: {  	_ =	shalt  }
0x7f: {  	_ =	shalt  }
0x80: {  	_ =	shalt  }
0x81: {  	_ =	shalt  }
0x82: {  	_ =	shalt  }
0x83: {  	_ =	shalt  }
0x84: {  	_ =	shalt  }
0x85: {  	_ =	shalt  }
0x86: {  	_ =	shalt  }
0x87: {  	_ =	shalt  }
.Lfunc_end0:
.L_simem_size_0:
called_computation_lowered:
.L_overlay_start_0:
0x88: {  	s2 =	sld [smem:$0x3FD9]  }
0x89: {  	s3 =	sld [smem:$0x3FFE];
	_ =	sdelay $0x1  }
0x8a: {  	s1 =	srdreg.scid  }
0x8b: {  	s0 =	sand.u32 $0x1, s1  }
0x8c: {  	s17 =	sshll.u32 s0, $0xA;
	s2 =	sadd.s32 s3, s2  }
0x8d: {  	s2 =	sadd.s32 s2, s17  }
0x8e: {  	[smem:$0x3FC7] =	sst s2  }
0x8f: {  	_ = 	snop  }
0x90: {  	s2 =	sld [smem:$0x3FC9]  }
0x91: {  	s18 =	sld [smem:$0x3FD0];
	(tm) =	ssettm $0x1  }
0x92: {  	s4 =	sld [smem:$0x3FFB];
	_ =	sdelay $0x3  }
0x93: {  	_ =	strace s4  }
0x94: {  	s4 =	sld [smem:$0x3FFC];
	_ =	sdelay $0x3  }
0x95: {  	_ =	strace s4  }
0x96: {  	s4 =	sld [smem:$0x3FFD];
	_ =	sdelay $0x3  }
0x97: {  	_ =	strace s4  }
0x98: {  	_ =	strace $0x8FFFFFFF  }
0x99: {  	s19 =	sld [smem:$0x3FDB];
	_ =	sdelay $0x1  }
0x9a: {  	s5 =	simm.s32 $_scs_section_size  }
0x9b: {  	s6 =	simm.s32 $_size__tile_overlayer_lowered;
	s7 =	simm.s32 $_tile_overlayer_lowered  }
0x9c: {  	s22 =	simm.s32 $0x1BFF;
	s21 =	sshll.u32 s7, $0x1;
	s4 =	sadd.s32 s5, s19  }
0x9d: {  	s8 =	simm.s32 $0x0;
	s20 =	sshll.u32 s6, $0x1;
	s6 =	sadd.s32 s21, s4  }
0x9e: {  	[timem:s8], [sflag:s22] =	dma.local [hbm:s6], s20  }
0x9f: {  	_ =	swait.ge [sflag:s22], s20  }
0xa0: {  	s5 =	ssub.s32 $0x0, s20;
	[sflag:s22] =	ssyncset.done $0x0  }
0xa1: {  	[sflag:s22] =	ssyncadd.s32 s5;
	_ =	sdelay $0x1  }
0xa2: {  	s23 =	simm.s32 $0x1B8B  }
0xa3: {  	_ =	swait.ge [sflag:s23], $0x1  }
0xa4: {  	[sflag:s23] =	ssyncset.done $0x0  }
0xa5: {  	s25 =	simm.s32 $0x1B8E;
	s24 =	sld [smem:$0x3FFE];
	[sflag:s23] =	ssyncadd.s32 $0xFFFFFFFF  }
0xa6: {  	s26 =	simm.s32 $execute0_lowered;
	[smem:$0x3FD2] =	sst s25  }
0xa7: {  	s6 =	sshll.u32 s26, $0x1;
	_ =	strace $0x80000046;
	[dreg:$0x1] =	wrdreg $0xFFFFFFFF  }
0xa8: {  	s28 =	simm.s32 $_size_execute0_lowered;
	s4 =	sadd.s32 s4, s6;
	[dreg:$0x0] =	wrdreg $0x0  }
0xa9: {  	s6 =	sshll.u32 s28, $0x1;
	[dreg:$0x2] =	wrdreg s4  }
0xaa: {  	[dreg:$0x3] =	wrdreg s6  }
0xab: {  	[dreg:$0x4] =	wrdreg $0xC0  }
0xac: {  	_ =	task [dreg:s8], $0x5FFFF  }
0xad: {  	[dreg:$0x1] =	wrdreg $0xFFFFFFFF  }
0xae: {  	[dreg:$0x0] =	wrdreg $0x60  }
0xaf: {  	[dreg:$0x2] =	wrdreg s2  }
0xb0: {  	[dreg:$0x3] =	wrdreg s24  }
0xb1: {  	[dreg:$0x4] =	wrdreg s18  }
0xb2: {  	[dreg:$0x5] =	wrdreg $0x9  }
0xb3: {  	_ =	task.clear_ibuf [dreg:s8], $0x6FFFF;
	_ =	strace $0x90000046  }
0xb4: {  	s29 =	simm.s32 $0x9;
	_ =	strace $0x80000048  }
0xb5: {  	_ =	swait.ge [sflag:s29], $0x1  }
0xb6: {  	[sflag:s29] =	ssyncadd.s32 $0xFFFFFFFF  }
0xb7: {  	_ =	strace $0x90000048  }
0xb8: {  	_ =	sfence  }
0xb9: {  	s30 =	sld [smem:$0x0];
	_ =	sdelay $0x2  }
0xba: {  	s31 =	sshll.u32 s1, $0xD;
	s1 =	sshrl.u32 s1, $0x2  }
0xbb: {  	s3 =	sand.u32 $0x4000, s31;
	s1 =	sadd.s32 s1, s30  }
0xbc: {  	s0 =	sor.u32 s3, s0;
	s1 =	sshll.u32 s1, $0x11  }
0xbd: {  	s0 =	sor.u32 s1, s0  }
0xbe: {  	s0 =	sadd.s32 $0x8F2B, s0  }
0xbf: {  	[sflag:s0] =	ssyncadd.remote.s32 $0x1  }
0xc0: {  	_ =	sfence.sel $0xFFFF  }
0xc1: {  	[dreg:$0x0] =	wrdreg $0xFFFFFFFF;
	(pc) =	sbr.abs _section_cstart, $3  }
0xc2: {  	[dreg:$0x1] =	wrdreg $0xFFFFFFFF  }
0xc3: {  	_ =	task.clear_ibuf [dreg:s8], $0x2FFFF;
	_ =	strace $0x9FFFFFFF  }
0xc4: {  	(tm) =	ssettm $0x7FFFFFFF  }
0xc5: {  	_ =	shalt  }
tec
execute0_lowered:
.L_overlay_start_1:
0x0: {  	(tag) =	ssettag $0x1  }
0x1: {  	s1 =	srdreg.scid;
	s0 =	stileid.u32  }
0x2: {  	s4 =	sand.u32 $0x1, s1;
	s29 =	sshll.u32 s0, $0x1  }
0x3: {  	s1 =	sor.u32 s4, s29  }
0x4: {  	s5 =	smul.u32 $0x2880, s1;
	_ =	sdelay $0x1  }
0x5: {  	s1 =	smulhi.u32 $0x97B43, s5;
	_ =	sdelay $0x1  }
0x6: {  	s2 =	rddreg [dreg:$0x0];
	s31 =	smul.u32 $0x5100, s0;
	s9 =	sshrl.u32 s1, $0x2  }
0x7: {  	s7 =	rddreg [dreg:$0x1];
	s11 =	ssub.s32 $0x2, s4;
	s6 =	smul.u32 $0x6C00, s9  }
0x8: {  	s8 =	rddreg [dreg:$0x2];
	s12 =	smul.u32 $0x2880, s4;
	s30 =	sshrl.u32 s11, $0x1  }
0x9: {  	s1 =	rddreg [dreg:$0x3];
	v1 =	vmov s9;
	s9 =	simm.s32 $0x800;
	s3 =	ssub.s32 s5, s6  }
0xa: {  	s5 =	sshrl.u32 s5, $0x3;
	s6 =	sadd.s32 $0x6C00, s6;
	s10 =	sshrl.u32 s3, $0x3  }
0xb: {  	s3 =	simm.s32 $0x0;
	s5 =	sadd.s32 s8, s5;
	s8 =	simm.s32 $0x1  }
0xc: {  	s7 =	sadd.s32 s10, s7;
	[smem:$0x7FF] =	sst s3;
	s10 =	ssub.s32 s11, s30  }
0xd: {  	s11 =	simm.s32 $0x0;
	_ =	strace $0x80000047;
	s4 =	sadd.s32 $0x600, s7  }
0xe: {  	v2 =	vlaneseq.u32;
	v3 =	vimm.s32 $0x0;
	v0 =	vmov s6;
	s6 =	smax.u32 s10, $0x1;
	s7 =	sadd.s32 s12, s31;
	s10 =	simm.s32 $0x3080  }
.LBB2_1:
0xf: {  	[tilespmem:s3], [sflag:$0x1] =	stream.linear.gather [hbm4b:s2+s3], $0x600, $0x38;
	[tilespmem:$0x5900] =	vst v63  }
0x10: {  	s12 =	simm.s32 $0x70  }
0x11: {  	s13 =	simm.s32 $0x80;
	s20 =	simm.s32 $0x10;
	s14 =	simm.s32 $0x20  }
0x12: {  	s21 =	simm.s32 $0x30;
	s15 =	simm.s32 $0x40;
	s16 =	simm.s32 $0x50  }
0x13: {  	s22 =	simm.s32 $0x60;
	s23 =	simm.s32 $0x0;
	s24 =	sadd.s32 $0x80, s7;
	v4 =	vor.u32 s12, v2  }
0x14: {  	_ =	swait.ge [sflag:s8], $0x600;
	v5 =	vor.u32 s13, v2;
	v6 =	vor.u32 s20, v2;
	v7 =	vor.u32 s14, v2;
	s25 =	sadd.s32 $0xFFFFFF80, s24;
	s26 =	sadd.s32 $0xFFFFFF90, s24  }
0x15: {  	v8 =	vor.u32 s21, v2;
	v9 =	vor.u32 s15, v2;
	v10 =	vor.u32 s16, v2;
	s28 =	sadd.s32 $0xFFFFFFA0, s24;
	s29 =	sadd.s32 $0xFFFFFFB0, s24;
	[sflag:s8] =	ssyncset.done $0x0  }
0x16: {  	v11 =	vor.u32 s22, v2;
	v12 =	vor.u32 s23, v2;
	v14 =	vor.u32 s24, v2;
	s30 =	sadd.s32 $0xFFFFFFC0, s24;
	s31 =	sadd.s32 $0xFFFFFFD0, s24;
	[sflag:s8] =	ssyncadd.s32 $0xFFFFFA00  }
0x17: {  	v15 =	vor.u32 s25, v2;
	v16 =	vor.u32 s26, v2;
	v17 =	vor.u32 s28, v2;
	[tilespmem:s9], [sflag:$0x1] =	stream.linear.gather [hbm4b:s4+s3], $0x2880, $0x38;
	[tilespmem:$0x5900] =	vst v63  }
0x18: {  	s15 =	sadd.s32 $0xFFFFFFE0, s24;
	v18 =	vor.u32 s29, v2;
	v19 =	vor.u32 s30, v2;
	v20 =	vor.u32 s31, v2;
	_ =	swait.ge [sflag:s8], $0x2880  }
0x19: {  	vm7 =	vge.u32 v14, v0;
	vm15 =	vge.u32 v15, v0;
	v15 =	vor.u32 s15, v2;
	[sflag:s8] =	ssyncset.done $0x0  }
0x1a: {  	vm1 =	vge.u32 v16, v0;
	vm2 =	vge.u32 v17, v0;
	vm3 =	vge.u32 v18, v0;
	[sflag:s8] =	ssyncadd.s32 $0xFFFFD780  }
0x1b: {  	s17 =	sadd.s32 $0xFFFFFFF0, s24;
	vm4 =	vge.u32 v19, v0;
	vm5 =	vge.u32 v20, v0;
	v17 =	vsel vm7, $0x1, v3;
	v13 =	vld.idx.msk [tilespmem:v4+s9+$0x0], $0xffff  }
0x1c: {  	vm6 =	vge.u32 v15, v0;
	v14 =	vsel vm2, $0x1, v3;
	v4 =	vor.u32 s17, v2  }
0x1d: {  	v15 =	vsel vm4, $0x1, v3;
	v16 =	vsel vm5, $0x1, v3;
	v22 =	vld.idx.msk [tilespmem:v7+s9+$0x0], $0xffff;
	vm0 =	vge.u32 v4, v0  }
0x1e: {  	v17 =	vadd.s32 v17, v1;
	v14 =	vadd.s32 v14, v1;
	v23 =	vld.idx.msk [tilespmem:v12+s9+$0x0], $0xffff;
	v21 =	vsel vm0, $0x1, v3  }
0x1f: {  	v15 =	vadd.s32 v15, v1;
	v16 =	vadd.s32 v16, v1;
	v4 =	vld.idx.msk [tilespmem:v5+s9+$0x0], $0xffff;
	v5 =	vadd.s32 v21, v1  }
0x20: {  	v14 =	vshll.u32 v14, $0x7;
	v21 =	vld.idx.msk [tilespmem:v6+s9+$0x0], $0xffff;
	v5 =	vshll.u32 v5, $0x7;
	v6 =	vand.u32 $0xFFFFFF80, v13  }
0x21: {  	v31 =	vshll.u32 v15, $0x7;
	v7 =	vand.u32 $0x7F, v13;
	v5 =	vadd.s32 v5, v6  }
0x22: {  	v32 =	vshll.u32 v16, $0x7;
	v13 =	vsel vm1, $0x1, v3;
	v6 =	vld.idx.msk [tilespmem:v9+s9+$0x0], $0xffff;
	v12 =	vor.u32 v7, v5  }
0x23: {  	v19 =	vand.u32 $0xFFFFFF80, v23;
	v24 =	vand.u32 $0xFFFFFF80, v22;
	v9 =	vsel vm15, $0x1, v3;
	v5 =	vld.idx.msk [tilespmem:v8+s9+$0x0], $0xffff  }
0x24: {  	v13 =	vadd.s32 v13, v1;
	v15 =	vadd.s32 v14, v24;
	v7 =	vld.idx.msk [tilespmem:v10+s9+$0x0], $0xffff;
	v10 =	vsel vm3, $0x1, v3  }
0x25: {  	v8 =	vld.idx.msk [tilespmem:v11+s9+$0x0], $0xffff;
	v11 =	vadd.s32 v9, v1;
	v9 =	vsel vm6, $0x1, v3;
	v13 =	vshll.u32 v13, $0x7  }
0x26: {  	v10 =	vadd.s32 v10, v1;
	v18 =	vadd.s32 v9, v1;
	v20 =	vand.u32 $0xFFFFFF80, v21  }
0x27: {  	v9 =	vand.u32 $0xFFFFFF80, v4;
	v11 =	vshll.u32 v11, $0x7;
	v30 =	vshll.u32 v10, $0x7;
	v29 =	vld.idx.msk [tilespmem:v12+s3+$0x0], $0xffff  }
0x28: {  	v10 =	vshll.u32 v17, $0x7;
	v17 =	vadd.s32 v13, v20;
	v20 =	vand.u32 $0x7F, v21  }
0x29: {  	v26 =	vand.u32 $0xFFFFFF80, v6;
	v25 =	vand.u32 $0xFFFFFF80, v5;
	v27 =	vand.u32 $0xFFFFFF80, v7  }
0x2a: {  	s12 =	simm.s32 $0x30C0;
	v28 =	vand.u32 $0xFFFFFF80, v8;
	v12 =	vadd.s32 v11, v19;
	v11 =	vshll.u32 v18, $0x7  }
0x2b: {  	s13 =	sand.u32 $0x7F80, s13;
	s14 =	sand.u32 $0x70, s23;
	s16 =	simm.s32 $0x110;
	v16 =	vadd.s32 v31, v26;
	v19 =	vand.u32 $0x7F, v23;
	v18 =	vand.u32 $0x7F, v22  }
0x2c: {  	s13 =	sor.u32 s14, s13;
	s14 =	simm.s32 $0x30C0;
	s15 =	simm.s32 $0x0;
	v13 =	vadd.s32 v30, v25;
	v14 =	vadd.s32 v32, v27;
	v11 =	vadd.s32 v11, v28;
	[tilespmem:s12+$0x30] =	vst v29  }
.LBB2_2:
0x2d: {  	s17 =	sadd.s32 $0xFFFFFF90, s16;
	s18 =	sadd.s32 $0xFFFFFFF0, s16;
	v21 =	vor.u32 s16, v2;
	s15 =	sadd.s32 $0x9, s15;
	v5 =	vand.u32 $0x7F, v5;
	v6 =	vand.u32 $0x7F, v6  }
0x2e: {  	s19 =	sadd.s32 $0xFFFFFFB0, s16;
	v7 =	vand.u32 $0x7F, v7;
	v22 =	vor.u32 s17, v2;
	s17 =	sadd.s32 $0xFFFFFFA0, s16;
	v23 =	vor.u32 s18, v2;
	p0 =	slt.u32 s15, $0x27F  }
0x2f: {  	v8 =	vand.u32 $0x7F, v8;
	v25 =	vor.u32 s19, v2;
	s18 =	sadd.s32 $0xFFFFFFD0, s16;
	s19 =	sadd.s32 $0xFFFFFFE0, s16;
	v24 =	vor.u32 s17, v2;
	s17 =	sadd.s32 $0xFFFFFFC0, s16  }
0x30: {  	s20 =	sadd.s32 $0xFFFFFF80, s16;
	v27 =	vor.u32 s18, v2;
	v28 =	vor.u32 s19, v2;
	v26 =	vor.u32 s17, v2;
	s17 =	sand.u32 $0x7F80, s16  }
0x31: {  	v30 =	vand.u32 $0x7F, v4;
	v9 =	vadd.s32 v10, v9;
	v29 =	vor.u32 s20, v2;
	s18 =	sand.u32 $0x70, s20  }
0x32: {  	v10 =	vor.u32 v19, v12;
	v12 =	vor.u32 v20, v17;
	v15 =	vor.u32 v18, v15;
	s17 =	sor.u32 s18, s17;
	v4 =	vld.idx.msk [tilespmem:v21+s9+$0x0], $0xffff  }
0x33: {  	v13 =	vor.u32 v5, v13;
	v16 =	vor.u32 v6, v16;
	v14 =	vor.u32 v7, v14;
	s18 =	sadd.s32 s16, s7;
	v17 =	vld.idx.msk [tilespmem:v23+s9+$0x0], $0xffff  }
0x34: {  	v11 =	vor.u32 v8, v11;
	v9 =	vor.u32 v30, v9;
	s19 =	sadd.s32 $0xFFFFFF80, s18;
	s20 =	sadd.s32 $0xFFFFFF90, s18;
	s21 =	sadd.s32 $0xFFFFFFF0, s18;
	v19 =	vor.u32 s18, v2;
	v18 =	vld.idx.msk [tilespmem:v22+s9+$0x0], $0xffff  }
0x35: {  	s22 =	sadd.s32 $0xFFFFFFC0, s18;
	v6 =	vor.u32 s19, v2;
	v7 =	vor.u32 s20, v2;
	s19 =	sadd.s32 $0xFFFFFFA0, s18;
	s20 =	sadd.s32 $0xFFFFFFB0, s18;
	v5 =	vor.u32 s21, v2;
	v21 =	vld.idx.msk [tilespmem:v24+s9+$0x0], $0xffff  }
0x36: {  	v8 =	vor.u32 s19, v2;
	v22 =	vor.u32 s20, v2;
	s19 =	sadd.s32 $0xFFFFFFD0, s18;
	s18 =	sadd.s32 $0xFFFFFFE0, s18;
	vm0 =	vge.u32 v5, v0;
	v20 =	vld.idx.msk [tilespmem:v29+s9+$0x0], $0xffff  }
0x37: {  	v23 =	vor.u32 s22, v2;
	v24 =	vor.u32 s19, v2;
	v5 =	vld.idx.msk [tilespmem:v25+s9+$0x0], $0xffff;
	v25 =	vsel vm0, $0x1, v3  }
0x38: {  	vm0 =	vge.u32 v6, v0;
	v6 =	vld.idx.msk [tilespmem:v26+s9+$0x0], $0xffff;
	v26 =	vor.u32 s18, v2;
	v25 =	vadd.s32 v25, v1  }
0x39: {  	vm1 =	vge.u32 v7, v0;
	v7 =	vld.idx.msk [tilespmem:v27+s9+$0x0], $0xffff;
	v27 =	vand.u32 $0xFFFFFF80, v17;
	v25 =	vshll.u32 v25, $0x7  }
0x3a: {  	vm2 =	vge.u32 v8, v0;
	v17 =	vand.u32 $0x7F, v17;
	v8 =	vld.idx.msk [tilespmem:v28+s9+$0x0], $0xffff;
	v25 =	vadd.s32 v25, v27  }
0x3b: {  	vm4 =	vge.u32 v23, v0;
	vm3 =	vge.u32 v22, v0;
	v17 =	vor.u32 v17, v25;
	v10 =	vld.idx.msk [tilespmem:v10+s3+$0x0], $0xffff  }
0x3c: {  	vm7 =	vge.u32 v19, v0;
	vm5 =	vge.u32 v24, v0;
	vm6 =	vge.u32 v26, v0;
	v12 =	vld.idx.msk [tilespmem:v12+s3+$0x0], $0xffff  }
0x3d: {  	v22 =	vsel vm1, $0x1, v3;
	v23 =	vsel vm2, $0x1, v3;
	v19 =	vsel vm0, $0x1, v3;
	v15 =	vld.idx.msk [tilespmem:v15+s3+$0x0], $0xffff  }
0x3e: {  	v24 =	vsel vm3, $0x1, v3;
	v26 =	vsel vm5, $0x1, v3;
	v25 =	vsel vm4, $0x1, v3;
	v13 =	vld.idx.msk [tilespmem:v13+s3+$0x0], $0xffff  }
0x3f: {  	v19 =	vadd.s32 v19, v1;
	v27 =	vsel vm6, $0x1, v3;
	v28 =	vsel vm7, $0x1, v3;
	v16 =	vld.idx.msk [tilespmem:v16+s3+$0x0], $0xffff  }
0x40: {  	v22 =	vadd.s32 v22, v1;
	v23 =	vadd.s32 v23, v1;
	v24 =	vadd.s32 v24, v1;
	v17 =	vld.idx.msk [tilespmem:v17+s3+$0x0], $0xffff  }
0x41: {  	v26 =	vadd.s32 v26, v1;
	v27 =	vadd.s32 v27, v1;
	v25 =	vadd.s32 v25, v1;
	v14 =	vld.idx.msk [tilespmem:v14+s3+$0x0], $0xffff  }
0x42: {  	v30 =	vand.u32 $0xFFFFFF80, v18;
	v29 =	vand.u32 $0xFFFFFF80, v20;
	v28 =	vadd.s32 v28, v1;
	[tilespmem:s12+$0xFFFFFFC0] =	vst v10;
	v31 =	vld.idx.msk [tilespmem:v11+s3+$0x0], $0xffff  }
0x43: {  	v32 =	vand.u32 $0xFFFFFF80, v5;
	v33 =	vand.u32 $0xFFFFFF80, v6;
	v11 =	vand.u32 $0xFFFFFF80, v21;
	[tilespmem:s12+$0xFFFFFFD0] =	vst v12;
	v34 =	vld.idx.msk [tilespmem:v9+s3+$0x0], $0xffff  }
0x44: {  	v35 =	vand.u32 $0xFFFFFF80, v7;
	v36 =	vand.u32 $0xFFFFFF80, v8;
	v9 =	vand.u32 $0xFFFFFF80, v4;
	[tilespmem:s12+$0xFFFFFFE0] =	vst v15  }
0x45: {  	v10 =	vshll.u32 v19, $0x7;
	v19 =	vshll.u32 v23, $0x7;
	v15 =	vshll.u32 v22, $0x7;
	s12 =	sadd.s32 $0x90, s12;
	[tilespmem:s14+$0xFFFFFFF0] =	vst v13  }
.Ltmp0:
0x46: {  	v23 =	vshll.u32 v26, $0x7;
	v22 =	vshll.u32 v25, $0x7;
	v13 =	vshll.u32 v24, $0x7;
	[tilespmem:s12+$0x30] =	vst v17;
	(pc) =	sbr.rel @p0 .LBB2_2-.Ltmp0, $4  }
0x47: {  	v12 =	vadd.s32 v10, v29;
	v10 =	vshll.u32 v28, $0x7;
	v24 =	vshll.u32 v27, $0x7;
	[tilespmem:s14+$0x0] =	vst v16  }
0x48: {  	v17 =	vadd.s32 v15, v30;
	v15 =	vadd.s32 v19, v11;
	v13 =	vadd.s32 v13, v32;
	[tilespmem:s14+$0x10] =	vst v14  }
0x49: {  	v11 =	vadd.s32 v24, v36;
	v16 =	vadd.s32 v22, v33;
	v14 =	vadd.s32 v23, v35;
	[tilespmem:s14+$0x20] =	vst v31;
	s14 =	smov.u32 s12  }
0x4a: {  	s16 =	sadd.s32 $0x90, s16;
	v19 =	vand.u32 $0x7F, v20;
	v20 =	vand.u32 $0x7F, v18;
	v18 =	vand.u32 $0x7F, v21;
	[tilespmem:s13+$0x3080] =	vst v34;
	s13 =	smov.u32 s17  }
0x4b: {  	v12 =	vor.u32 v19, v12  }
0x4c: {  	v17 =	vor.u32 v20, v17  }
0x4d: {  	v5 =	vand.u32 $0x7F, v5;
	v15 =	vor.u32 v18, v15  }
0x4e: {  	v6 =	vand.u32 $0x7F, v6;
	v5 =	vor.u32 v5, v13  }
0x4f: {  	v7 =	vand.u32 $0x7F, v7;
	v6 =	vor.u32 v6, v16  }
0x50: {  	v8 =	vand.u32 $0x7F, v8;
	v7 =	vor.u32 v7, v14;
	v12 =	vld.idx.msk [tilespmem:v12+s3+$0x0], $0xffff  }
0x51: {  	v4 =	vand.u32 $0x7F, v4;
	v9 =	vadd.s32 v10, v9;
	v8 =	vor.u32 v8, v11;
	v62 =	vld.idx.msk [tilespmem:v17+s3+$0x0], $0xffff  }
0x52: {  	v4 =	vor.u32 v4, v9;
	v63 =	vld.idx.msk [tilespmem:v15+s3+$0x0], $0xffff  }
0x53: {  	v5 =	vld.idx.msk [tilespmem:v5+s3+$0x0], $0xffff  }
0x54: {  	v6 =	vld.idx.msk [tilespmem:v6+s3+$0x0], $0xffff  }
0x55: {  	v7 =	vld.idx.msk [tilespmem:v7+s3+$0x0], $0xffff;
	[tilespmem:s12+$0xFFFFFFC0] =	vst v12  }
0x56: {  	v8 =	vld.idx.msk [tilespmem:v8+s3+$0x0], $0xffff;
	[tilespmem:s12+$0xFFFFFFD0] =	vst v62  }
0x57: {  	v4 =	vld.idx.msk [tilespmem:v4+s3+$0x0], $0xffff;
	[tilespmem:s12+$0xFFFFFFE0] =	vst v63  }
0x58: {  	[tilespmem:s14+$0xFFFFFFF0] =	vst v5  }
0x59: {  	[tilespmem:s14+$0x0] =	vst v6  }
0x5a: {  	s11 =	sadd.s32 $0x1, s11;
	[tilespmem:s14+$0x10] =	vst v7  }
0x5b: {  	p0 =	sne.s32 s11, s6;
	[tilespmem:s14+$0x20] =	vst v8  }
.Ltmp1:
0x5c: {  	[tilespmem:s13+$0x3080] =	vst v4;
	(pc) =	sbr.rel @p0 .LBB2_1-.Ltmp1, $4  }
0x5d: {  	[hbm4b:s5+s3] =	stream.linear.scatter [tilespmem:s10], [sflag:$0x1], $0x2880, $0x38;
	[tilespmem:$0x5900] =	vst v63  }
0x5e: {  	_ =	swait.ge [sflag:s8], $0x2880  }
0x5f: {  	[sflag:s8] =	ssyncset.done $0x0  }
0x60: {  	[sflag:s8] =	ssyncadd.s32 $0xFFFFD780  }
0x61: {  	_ =	sfence.sel $0x180000  }
0x62: {  	[bflag:$0x0] =	sbarrier.arrive $0xFFFF  }
0x63: {  	p0 =	sne.s32 s0, $0x0;
	_ =	strace $0x90000047  }
0x64: {  	s0 =	sadd.s32 @!p0 $0x100000, s1;
	[bflag:$0x2] =	sbarrier.arrive $0xFFFF  }
0x65: {  	[sflag:s0] =	ssyncadd.tile.s32 @!p0 $0x1;
	_ =	shalt  }
.Lfunc_end2:
_tile_overlayer_lowered:
.L_overlay_start_2:
0x66: {  	(tag) =	ssettag $0x2  }
0x67: {  	s0 =	rddreg [dreg:$0x0];
	s2 =	stileid.u32  }
0x68: {  	s1 =	rddreg [dreg:$0x1];
	p0 =	sne.s32 s2, $0x0  }
0x69: {  	s3 =	rddreg [dreg:$0x2];
	[bflag:$0x3] =	sbarrier.arrive $0xFFFF;
	s2 =	simm.s32 @!p0 $0x1C01  }
0x6a: {  	[timem:s3], [sflag:s2] =	dma.local @!p0 [hbm:s0], s1  }
0x6b: {  	s0 =	simm.s32 @!p0 $0x1  }
0x6c: {  	_ =	swait.ge @!p0 [sflag:s0], s1  }
0x6d: {  	s1 =	ssub.s32 @!p0 $0x0, s1;
	[sflag:s0] =	ssyncset.done @!p0 $0x0  }
0x6e: {  	[sflag:s0] =	ssyncadd.s32 @!p0 s1  }
0x6f: {  	[bflag:$0x3] =	sbarrier.arrive $0xFFFF  }
0x70: {  	_ =	shalt  }

</sc_bundles>
